<compile_context>
chip_gen: v7x
topology: tpu7x:2x2x1
jax: 0.10.2.dev20260603
libtpu: 0.0.44.dev20260713+nightly
codegen_flags: <defaults>
</compile_context>

<pallas_src>
import functools

import jax
import jax.numpy as jnp
from jax import lax
from jax.experimental import pallas as pl
from jax.experimental.pallas import tpu as pltpu
from jax.experimental.pallas import tpu_sc as plsc

F = 26
V = 100001
D = 50
DP = 56
B = 16384
R = B * F

_info = plsc.get_sparse_core_info()
NC, NS, L = _info.num_cores, _info.num_subcores, _info.num_lanes
NW = NC * NS
RW = R // NW
C = 512
NCHUNK = RW // C
KB = 128
KG = C // KB

_mesh = plsc.VectorSubcoreMesh(core_axis_name="c", subcore_axis_name="s")


@functools.partial(
    pl.kernel,
    mesh=_mesh,
    out_type=jax.ShapeDtypeStruct((R, DP), jnp.float32),
    compiler_params=pltpu.CompilerParams(use_tc_tiling_on_sc=False),
    scratch_types=[
        pltpu.VMEM((KB,), jnp.int32),
        pltpu.VMEM((KB,), jnp.int32),
        pltpu.VMEM((KB,), jnp.int32),
        pltpu.VMEM((KB,), jnp.int32),
        pltpu.VMEM((C, DP), jnp.float32),
        pltpu.SemaphoreType.DMA,
    ],
)
def _gather_kernel(gidx_hbm, tab_hbm, out_hbm, g0, g1, g2, g3, rows_v, sem):
    gidx = [g0, g1, g2, g3]
    wid = lax.axis_index("s") * NC + lax.axis_index("c")
    base = wid * RW

    def chunk(g, carry):
        rowbase = base + g * C
        for k in range(KG):
            pltpu.sync_copy(gidx_hbm.at[pl.ds(rowbase + k * KB, KB)], gidx[k])
        copies = [
            pltpu.async_copy(
                tab_hbm.at[gidx[k]],
                rows_v.at[pl.ds(k * KB, KB)],
                sem,
            )
            for k in range(KG)
        ]
        for cp in copies:
            cp.wait()
        pltpu.sync_copy(rows_v, out_hbm.at[pl.ds(rowbase, C)])
        return carry

    lax.fori_loop(0, NCHUNK, chunk, 0)


def kernel(x, tables):
    offs = jnp.arange(F, dtype=jnp.int32) * V
    gidx = (x + offs[None, :]).reshape(R)
    tab_pad = lax.pad(tables.reshape(F * V, D), jnp.float32(0),
                      ((0, 0, 0), (0, DP - D, 0)))
    out = _gather_kernel(gidx, tab_pad)
    return out[:, :D].reshape(B, F * D)

# --- scband reference (transcript-rebuilt; emitter-appended) ---
"""Pipeline reference for scband-embedding-module-35759897706825 (READ-ONLY COPY).

The authoritative reference and input builder live on the scoring server;
editing this copy changes nothing except your own understanding.
"""

import jax, jax.numpy as jnp
import numpy as np

NUM_FIELDS = 26
CARD = 100000
DIM = 50
BATCH = 16384


def setup_inputs(seed: int = 0) -> dict:
    key = jax.random.key(seed)
    kx, kt = jax.random.split(key)
    # indices in [0, CARD]; tables have CARD+1 rows (index 0 is padding)
    x = jax.random.randint(kx, (BATCH, NUM_FIELDS), 0, CARD, dtype=jnp.int32)
    # all 26 tables share shape [CARD+1, DIM]; stack into one array
    tables = jax.random.normal(kt, (NUM_FIELDS, CARD + 1, DIM), dtype=jnp.float32) * 0.01
    # padding_idx=0 -> row 0 is all zeros
    tables = tables.at[:, 0, :].set(0.0)
    return {"x": x, "tables": tables}


def reference(x, tables):
    # torch: cat([layer(x[:, i]) for i, layer in enumerate(self.embedding_layers)], dim=1)
    outs = [jnp.take(tables[i], x[:, i], axis=0) for i in range(NUM_FIELDS)]
    return jnp.concatenate(outs, axis=1)

if __name__ == "__main__":
    import jax
    _d = setup_inputs()
    print(jax.jit(kernel)(*tuple(_d.values())))

</pallas_src>

<mosaic_0001>
#map = affine_map<(d0, d1) -> (0)>
#map1 = affine_map<(d0, d1) -> (0, 0)>
module attributes {stable_mosaic.version = 14 : i64} {
  func.func @_gather_kernel(%arg0: i32, %arg1: i32, %arg2: memref<425984xi32, #tpu.memory_space<hbm>>, %arg3: memref<2600026x56xf32, #tpu.memory_space<hbm>>, %arg4: memref<425984x56xf32, #tpu.memory_space<hbm>>, %arg5: memref<128xi32, #tpu.memory_space<vmem>>, %arg6: memref<128xi32, #tpu.memory_space<vmem>>, %arg7: memref<128xi32, #tpu.memory_space<vmem>>, %arg8: memref<128xi32, #tpu.memory_space<vmem>>, %arg9: memref<512x56xf32, #tpu.memory_space<vmem>>, %arg10: memref<!tpu.dma_semaphore, #tpu.memory_space<semaphore_mem>>) attributes {dimension_semantics = [#tpu.dimension_semantics<core_parallel>, #tpu.dimension_semantics<subcore_parallel>], iteration_bounds = array<i64: 2, 16>, scalar_prefetch = 0 : i64, scratch_operands = 6 : i64, tpu.core_type = #tpu.core_type<sc_vector_subcore>, window_params = [{transform_indices = #map}, {transform_indices = #map1}, {transform_indices = #map1}]} {
    %mul3A = arith.constant 2 : i32
    %mul3A_0 = arith.muli %arg1, %mul3A : i32
    %add3A = arith.addi %mul3A_0, %arg0 : i32
    %mul3A_1 = arith.constant 13312 : i32
    %mul3A_2 = arith.muli %add3A, %mul3A_1 : i32
    %scan3A = arith.constant 0 : i32
    %scan3A_3 = arith.constant 0 : i32
    %scan3A_4 = arith.constant 26 : i32
    %scan3A_5 = arith.addi %scan3A_3, %scan3A_4 : i32
    %scan3A_6 = arith.constant 1 : i32
    scf.for %scan3A_8 = %scan3A_3 to %scan3A_5 step %scan3A_6  : i32 {
      %mul3A_9 = arith.constant 512 : i32
      %mul3A_10 = arith.muli %scan3A_8, %mul3A_9 : i32
      %add3A_11 = arith.addi %mul3A_2, %mul3A_10 : i32
      %add3A_12 = arith.constant 0 : i32
      %add3A_13 = arith.addi %add3A_11, %add3A_12 : i32
      "tpu.region"() ({
        %run_scoped3A = tpu.sem_alloc : memref<!tpu.dma_semaphore, #tpu.memory_space<semaphore_mem>>
        %dma_start3A_66 = tpu.memref_slice %arg2[%add3A_13] : memref<425984xi32, #tpu.memory_space<hbm>> -> memref<128xi32, #tpu.memory_space<hbm>>
        %dma_start3A_67 = tpu.memref_slice %arg2[%add3A_13] : memref<425984xi32, #tpu.memory_space<hbm>> -> memref<128xi32, #tpu.memory_space<hbm>>
        tpu.enqueue_dma source(%dma_start3A_67 : memref<128xi32, #tpu.memory_space<hbm>>) target(%arg5 : memref<128xi32, #tpu.memory_space<vmem>>) target_semaphore(%run_scoped3A : memref<!tpu.dma_semaphore, #tpu.memory_space<semaphore_mem>>)
        %dma_wait3A_68 = tpu.memref_slice %arg2[%add3A_13] : memref<425984xi32, #tpu.memory_space<hbm>> -> memref<128xi32, #tpu.memory_space<hbm>>
        %dma_wait3A_69 = tpu.memref_slice %arg2[%add3A_13] : memref<425984xi32, #tpu.memory_space<hbm>> -> memref<128xi32, #tpu.memory_space<hbm>>
        tpu.wait_dma2 semaphore(%run_scoped3A : memref<!tpu.dma_semaphore, #tpu.memory_space<semaphore_mem>>) src(%dma_wait3A_69 : memref<128xi32, #tpu.memory_space<hbm>>) dst(%arg5 : memref<128xi32, #tpu.memory_space<vmem>>)
        tpu.yield
      }) : () -> ()
      %add3A_14 = arith.constant 128 : i32
      %add3A_15 = arith.addi %add3A_11, %add3A_14 : i32
      "tpu.region"() ({
        %run_scoped3A = tpu.sem_alloc : memref<!tpu.dma_semaphore, #tpu.memory_space<semaphore_mem>>
        %dma_start3A_66 = tpu.memref_slice %arg2[%add3A_15] : memref<425984xi32, #tpu.memory_space<hbm>> -> memref<128xi32, #tpu.memory_space<hbm>>
        %dma_start3A_67 = tpu.memref_slice %arg2[%add3A_15] : memref<425984xi32, #tpu.memory_space<hbm>> -> memref<128xi32, #tpu.memory_space<hbm>>
        tpu.enqueue_dma source(%dma_start3A_67 : memref<128xi32, #tpu.memory_space<hbm>>) target(%arg6 : memref<128xi32, #tpu.memory_space<vmem>>) target_semaphore(%run_scoped3A : memref<!tpu.dma_semaphore, #tpu.memory_space<semaphore_mem>>)
        %dma_wait3A_68 = tpu.memref_slice %arg2[%add3A_15] : memref<425984xi32, #tpu.memory_space<hbm>> -> memref<128xi32, #tpu.memory_space<hbm>>
        %dma_wait3A_69 = tpu.memref_slice %arg2[%add3A_15] : memref<425984xi32, #tpu.memory_space<hbm>> -> memref<128xi32, #tpu.memory_space<hbm>>
        tpu.wait_dma2 semaphore(%run_scoped3A : memref<!tpu.dma_semaphore, #tpu.memory_space<semaphore_mem>>) src(%dma_wait3A_69 : memref<128xi32, #tpu.memory_space<hbm>>) dst(%arg6 : memref<128xi32, #tpu.memory_space<vmem>>)
        tpu.yield
      }) : () -> ()
      %add3A_16 = arith.constant 256 : i32
      %add3A_17 = arith.addi %add3A_11, %add3A_16 : i32
      "tpu.region"() ({
        %run_scoped3A = tpu.sem_alloc : memref<!tpu.dma_semaphore, #tpu.memory_space<semaphore_mem>>
        %dma_start3A_66 = tpu.memref_slice %arg2[%add3A_17] : memref<425984xi32, #tpu.memory_space<hbm>> -> memref<128xi32, #tpu.memory_space<hbm>>
        %dma_start3A_67 = tpu.memref_slice %arg2[%add3A_17] : memref<425984xi32, #tpu.memory_space<hbm>> -> memref<128xi32, #tpu.memory_space<hbm>>
        tpu.enqueue_dma source(%dma_start3A_67 : memref<128xi32, #tpu.memory_space<hbm>>) target(%arg7 : memref<128xi32, #tpu.memory_space<vmem>>) target_semaphore(%run_scoped3A : memref<!tpu.dma_semaphore, #tpu.memory_space<semaphore_mem>>)
        %dma_wait3A_68 = tpu.memref_slice %arg2[%add3A_17] : memref<425984xi32, #tpu.memory_space<hbm>> -> memref<128xi32, #tpu.memory_space<hbm>>
        %dma_wait3A_69 = tpu.memref_slice %arg2[%add3A_17] : memref<425984xi32, #tpu.memory_space<hbm>> -> memref<128xi32, #tpu.memory_space<hbm>>
        tpu.wait_dma2 semaphore(%run_scoped3A : memref<!tpu.dma_semaphore, #tpu.memory_space<semaphore_mem>>) src(%dma_wait3A_69 : memref<128xi32, #tpu.memory_space<hbm>>) dst(%arg7 : memref<128xi32, #tpu.memory_space<vmem>>)
        tpu.yield
      }) : () -> ()
      %add3A_18 = arith.constant 384 : i32
      %add3A_19 = arith.addi %add3A_11, %add3A_18 : i32
      "tpu.region"() ({
        %run_scoped3A = tpu.sem_alloc : memref<!tpu.dma_semaphore, #tpu.memory_space<semaphore_mem>>
        %dma_start3A_66 = tpu.memref_slice %arg2[%add3A_19] : memref<425984xi32, #tpu.memory_space<hbm>> -> memref<128xi32, #tpu.memory_space<hbm>>
        %dma_start3A_67 = tpu.memref_slice %arg2[%add3A_19] : memref<425984xi32, #tpu.memory_space<hbm>> -> memref<128xi32, #tpu.memory_space<hbm>>
        tpu.enqueue_dma source(%dma_start3A_67 : memref<128xi32, #tpu.memory_space<hbm>>) target(%arg8 : memref<128xi32, #tpu.memory_space<vmem>>) target_semaphore(%run_scoped3A : memref<!tpu.dma_semaphore, #tpu.memory_space<semaphore_mem>>)
        %dma_wait3A_68 = tpu.memref_slice %arg2[%add3A_19] : memref<425984xi32, #tpu.memory_space<hbm>> -> memref<128xi32, #tpu.memory_space<hbm>>
        %dma_wait3A_69 = tpu.memref_slice %arg2[%add3A_19] : memref<425984xi32, #tpu.memory_space<hbm>> -> memref<128xi32, #tpu.memory_space<hbm>>
        tpu.wait_dma2 semaphore(%run_scoped3A : memref<!tpu.dma_semaphore, #tpu.memory_space<semaphore_mem>>) src(%dma_wait3A_69 : memref<128xi32, #tpu.memory_space<hbm>>) dst(%arg8 : memref<128xi32, #tpu.memory_space<vmem>>)
        tpu.yield
      }) : () -> ()
      %dma_start3A = arith.constant 0 : i32
      %dma_start3A_20 = arith.constant 0 : i32
      %dma_start3A_21 = tpu.memref_slice %arg9[%dma_start3A, %dma_start3A_20] : memref<512x56xf32, #tpu.memory_space<vmem>> -> memref<128x56xf32, #tpu.memory_space<vmem>>
      %dma_start3A_22 = arith.constant 0 : i32
      %dma_start3A_23 = arith.constant 0 : i32
      %dma_start3A_24 = tpu.memref_slice %arg3[%dma_start3A_22, %dma_start3A_23] : memref<2600026x56xf32, #tpu.memory_space<hbm>> -> memref<2600026x56xf32, #tpu.memory_space<hbm>>
      tpu.enqueue_indirect_dma source(%dma_start3A_24 : memref<2600026x56xf32, #tpu.memory_space<hbm>>) target(%dma_start3A_21 : memref<128x56xf32, #tpu.memory_space<vmem>>) offsets(%arg5 : memref<128xi32, #tpu.memory_space<vmem>>) semaphore(%arg10 : memref<!tpu.dma_semaphore, #tpu.memory_space<semaphore_mem>>)
      %dma_start3A_25 = arith.constant 128 : i32
      %dma_start3A_26 = arith.constant 0 : i32
      %dma_start3A_27 = tpu.memref_slice %arg9[%dma_start3A_25, %dma_start3A_26] : memref<512x56xf32, #tpu.memory_space<vmem>> -> memref<128x56xf32, #tpu.memory_space<vmem>>
      %dma_start3A_28 = arith.constant 0 : i32
      %dma_start3A_29 = arith.constant 0 : i32
      %dma_start3A_30 = tpu.memref_slice %arg3[%dma_start3A_28, %dma_start3A_29] : memref<2600026x56xf32, #tpu.memory_space<hbm>> -> memref<2600026x56xf32, #tpu.memory_space<hbm>>
      tpu.enqueue_indirect_dma source(%dma_start3A_30 : memref<2600026x56xf32, #tpu.memory_space<hbm>>) target(%dma_start3A_27 : memref<128x56xf32, #tpu.memory_space<vmem>>) offsets(%arg6 : memref<128xi32, #tpu.memory_space<vmem>>) semaphore(%arg10 : memref<!tpu.dma_semaphore, #tpu.memory_space<semaphore_mem>>)
      %dma_start3A_31 = arith.constant 256 : i32
      %dma_start3A_32 = arith.constant 0 : i32
      %dma_start3A_33 = tpu.memref_slice %arg9[%dma_start3A_31, %dma_start3A_32] : memref<512x56xf32, #tpu.memory_space<vmem>> -> memref<128x56xf32, #tpu.memory_space<vmem>>
      %dma_start3A_34 = arith.constant 0 : i32
      %dma_start3A_35 = arith.constant 0 : i32
      %dma_start3A_36 = tpu.memref_slice %arg3[%dma_start3A_34, %dma_start3A_35] : memref<2600026x56xf32, #tpu.memory_space<hbm>> -> memref<2600026x56xf32, #tpu.memory_space<hbm>>
      tpu.enqueue_indirect_dma source(%dma_start3A_36 : memref<2600026x56xf32, #tpu.memory_space<hbm>>) target(%dma_start3A_33 : memref<128x56xf32, #tpu.memory_space<vmem>>) offsets(%arg7 : memref<128xi32, #tpu.memory_space<vmem>>) semaphore(%arg10 : memref<!tpu.dma_semaphore, #tpu.memory_space<semaphore_mem>>)
      %dma_start3A_37 = arith.constant 384 : i32
      %dma_start3A_38 = arith.constant 0 : i32
      %dma_start3A_39 = tpu.memref_slice %arg9[%dma_start3A_37, %dma_start3A_38] : memref<512x56xf32, #tpu.memory_space<vmem>> -> memref<128x56xf32, #tpu.memory_space<vmem>>
      %dma_start3A_40 = arith.constant 0 : i32
      %dma_start3A_41 = arith.constant 0 : i32
      %dma_start3A_42 = tpu.memref_slice %arg3[%dma_start3A_40, %dma_start3A_41] : memref<2600026x56xf32, #tpu.memory_space<hbm>> -> memref<2600026x56xf32, #tpu.memory_space<hbm>>
      tpu.enqueue_indirect_dma source(%dma_start3A_42 : memref<2600026x56xf32, #tpu.memory_space<hbm>>) target(%dma_start3A_39 : memref<128x56xf32, #tpu.memory_space<vmem>>) offsets(%arg8 : memref<128xi32, #tpu.memory_space<vmem>>) semaphore(%arg10 : memref<!tpu.dma_semaphore, #tpu.memory_space<semaphore_mem>>)
      %dma_wait3A = arith.constant 0 : i32
      %dma_wait3A_43 = arith.constant 0 : i32
      %dma_wait3A_44 = tpu.memref_slice %arg9[%dma_wait3A, %dma_wait3A_43] : memref<512x56xf32, #tpu.memory_space<vmem>> -> memref<128x56xf32, #tpu.memory_space<vmem>>
      %dma_wait3A_45 = arith.constant 0 : i32
      %dma_wait3A_46 = arith.constant 0 : i32
      %dma_wait3A_47 = tpu.memref_slice %arg3[%dma_wait3A_45, %dma_wait3A_46] : memref<2600026x56xf32, #tpu.memory_space<hbm>> -> memref<2600026x56xf32, #tpu.memory_space<hbm>>
      tpu.wait_indirect_dma semaphore(%arg10 : memref<!tpu.dma_semaphore, #tpu.memory_space<semaphore_mem>>) src(%dma_wait3A_47 : memref<2600026x56xf32, #tpu.memory_space<hbm>>) dst(%dma_wait3A_44 : memref<128x56xf32, #tpu.memory_space<vmem>>)
      %dma_wait3A_48 = arith.constant 128 : i32
      %dma_wait3A_49 = arith.constant 0 : i32
      %dma_wait3A_50 = tpu.memref_slice %arg9[%dma_wait3A_48, %dma_wait3A_49] : memref<512x56xf32, #tpu.memory_space<vmem>> -> memref<128x56xf32, #tpu.memory_space<vmem>>
      %dma_wait3A_51 = arith.constant 0 : i32
      %dma_wait3A_52 = arith.constant 0 : i32
      %dma_wait3A_53 = tpu.memref_slice %arg3[%dma_wait3A_51, %dma_wait3A_52] : memref<2600026x56xf32, #tpu.memory_space<hbm>> -> memref<2600026x56xf32, #tpu.memory_space<hbm>>
      tpu.wait_indirect_dma semaphore(%arg10 : memref<!tpu.dma_semaphore, #tpu.memory_space<semaphore_mem>>) src(%dma_wait3A_53 : memref<2600026x56xf32, #tpu.memory_space<hbm>>) dst(%dma_wait3A_50 : memref<128x56xf32, #tpu.memory_space<vmem>>)
      %dma_wait3A_54 = arith.constant 256 : i32
      %dma_wait3A_55 = arith.constant 0 : i32
      %dma_wait3A_56 = tpu.memref_slice %arg9[%dma_wait3A_54, %dma_wait3A_55] : memref<512x56xf32, #tpu.memory_space<vmem>> -> memref<128x56xf32, #tpu.memory_space<vmem>>
      %dma_wait3A_57 = arith.constant 0 : i32
      %dma_wait3A_58 = arith.constant 0 : i32
      %dma_wait3A_59 = tpu.memref_slice %arg3[%dma_wait3A_57, %dma_wait3A_58] : memref<2600026x56xf32, #tpu.memory_space<hbm>> -> memref<2600026x56xf32, #tpu.memory_space<hbm>>
      tpu.wait_indirect_dma semaphore(%arg10 : memref<!tpu.dma_semaphore, #tpu.memory_space<semaphore_mem>>) src(%dma_wait3A_59 : memref<2600026x56xf32, #tpu.memory_space<hbm>>) dst(%dma_wait3A_56 : memref<128x56xf32, #tpu.memory_space<vmem>>)
      %dma_wait3A_60 = arith.constant 384 : i32
      %dma_wait3A_61 = arith.constant 0 : i32
      %dma_wait3A_62 = tpu.memref_slice %arg9[%dma_wait3A_60, %dma_wait3A_61] : memref<512x56xf32, #tpu.memory_space<vmem>> -> memref<128x56xf32, #tpu.memory_space<vmem>>
      %dma_wait3A_63 = arith.constant 0 : i32
      %dma_wait3A_64 = arith.constant 0 : i32
      %dma_wait3A_65 = tpu.memref_slice %arg3[%dma_wait3A_63, %dma_wait3A_64] : memref<2600026x56xf32, #tpu.memory_space<hbm>> -> memref<2600026x56xf32, #tpu.memory_space<hbm>>
      tpu.wait_indirect_dma semaphore(%arg10 : memref<!tpu.dma_semaphore, #tpu.memory_space<semaphore_mem>>) src(%dma_wait3A_65 : memref<2600026x56xf32, #tpu.memory_space<hbm>>) dst(%dma_wait3A_62 : memref<128x56xf32, #tpu.memory_space<vmem>>)
      "tpu.region"() ({
        %run_scoped3A = tpu.sem_alloc : memref<!tpu.dma_semaphore, #tpu.memory_space<semaphore_mem>>
        %dma_start3A_66 = arith.constant 0 : i32
        %dma_start3A_67 = tpu.memref_slice %arg4[%add3A_11, %dma_start3A_66] : memref<425984x56xf32, #tpu.memory_space<hbm>> -> memref<512x56xf32, #tpu.memory_space<hbm>>
        %dma_start3A_68 = arith.constant 0 : i32
        %dma_start3A_69 = tpu.memref_slice %arg4[%add3A_11, %dma_start3A_68] : memref<425984x56xf32, #tpu.memory_space<hbm>> -> memref<512x56xf32, #tpu.memory_space<hbm>>
        tpu.enqueue_dma source(%arg9 : memref<512x56xf32, #tpu.memory_space<vmem>>) target(%dma_start3A_69 : memref<512x56xf32, #tpu.memory_space<hbm>>) target_semaphore(%run_scoped3A : memref<!tpu.dma_semaphore, #tpu.memory_space<semaphore_mem>>)
        %dma_wait3A_70 = arith.constant 0 : i32
        %dma_wait3A_71 = tpu.memref_slice %arg4[%add3A_11, %dma_wait3A_70] : memref<425984x56xf32, #tpu.memory_space<hbm>> -> memref<512x56xf32, #tpu.memory_space<hbm>>
        %dma_wait3A_72 = arith.constant 0 : i32
        %dma_wait3A_73 = tpu.memref_slice %arg4[%add3A_11, %dma_wait3A_72] : memref<425984x56xf32, #tpu.memory_space<hbm>> -> memref<512x56xf32, #tpu.memory_space<hbm>>
        tpu.wait_dma2 semaphore(%run_scoped3A : memref<!tpu.dma_semaphore, #tpu.memory_space<semaphore_mem>>) src(%arg9 : memref<512x56xf32, #tpu.memory_space<vmem>>) dst(%dma_wait3A_73 : memref<512x56xf32, #tpu.memory_space<hbm>>)
        tpu.yield
      }) : () -> ()
    }
    %scan3A_7 = arith.constant 26 : i32
    return
  }
}

</mosaic_0001>

<sc_bundles>
// kernel: kernel.3.cloned.1.call-start
scs
__scs_entry_jumppad:
0x0: {  	(pc) =	sbr.rel $0x88, $3  }
0x1: {  	(tag) =	ssettag $0x0;
	lr =	simm.s32 $0x1  }
0x2: {  	[smem:$0x3F9F] =	sst lr;
	_ =	strace $0xD0000000  }
0x3: {  	_ = 	snop  }
0x4: {  	_ = 	snop  }
0x5: {  	_ = 	snop  }
0x6: {  	_ = 	snop  }
0x7: {  	_ = 	snop  }
__scs_overlays_trampoline_lowered:
0x8: {  	[smem:$0x3FAE] =	sst s0  }
0x9: {  	[smem:$0x3FAF] =	sst s1  }
0xa: {  	[smem:$0x3FB0] =	sst s2  }
0xb: {  	[smem:$0x3FB1] =	sst s3  }
0xc: {  	[smem:$0x3FB2] =	sst s4  }
0xd: {  	[smem:$0x3FB3] =	sst s5  }
0xe: {  	[smem:$0x3FB4] =	sst s6  }
0xf: {  	[smem:$0x3FB5] =	sst s7  }
0x10: {  	[smem:$0x3FB6] =	sst s8  }
0x11: {  	[smem:$0x3FB7] =	sst s9;
	s0 =	simm.s32 @!p0 $0x0  }
0x12: {  	s1 =	sld [smem:$0x3F9D];
	s0 =	simm.s32 @p0 $0x1  }
0x13: {  	[smem:$0x3FB8] =	sst s0;
	s0 =	simm.s32 @!p1 $0x0  }
0x14: {  	s2 =	sld [smem:$0x3F9C];
	s0 =	simm.s32 @p1 $0x1  }
0x15: {  	[smem:$0x3FB9] =	sst s0;
	s0 =	simm.s32 @!p2 $0x0  }
0x16: {  	s3 =	sld [smem:$0x3FDB];
	s0 =	simm.s32 @p2 $0x1  }
0x17: {  	s4 =	simm.s32 $0x1BF5;
	[smem:$0x3FBB] =	sst s0  }
0x18: {  	s0 =	sld [smem:$0x3F9E];
	_ =	swait.ge [sflag:s4], $0x0  }
0x19: {  	s7 =	sld [smem:$0x3F9F]  }
0x1a: {  	s8 =	sadd.s32 $0xFFFFE003, lr  }
0x1b: {  	s9 =	sadd.s32 $0xFFFFFEF7, lr;
	s5 =	simm.s32 $0xFFFFFFFF;
	p2 =	slt.u32 s8, $0xFFFFF086  }
0x1c: {  	p1 =	slt.u32 s9, $0xF7A;
	s5 =	simm.s32 @!p2 $0x0  }
0x1d: {  	s5 =	simm.s32 @p1 $0x1;
	p0 =	seq.s32 s7, s2  }
0x1e: {  	s7 =	smul.u32 @!p0 $0xF7A, s2;
	p2 =	seq.s32 @!p0 s5, $0x0  }
0x1f: {  	s9 =	smul.u32 $0xF7A, s1;
	s8 =	simm.s32 @!p0 $0x1BF5;
	p2 =	por !p2, p0  }
0x20: {  	[sflag:s8] =	ssyncset.s32 @!p0 $0xFFFFF086;
	s6 =	sadd.s32 @!p0 s3, s7;
	s7 =	simm.s32 @!p0 $0x108  }
0x21: {  	s3 =	sadd.s32 s3, s9;
	s6 =	sadd.s32 @!p0 $0x88, s6;
	s7 =	simm.s32 @p2 $0x1082  }
0x22: {  	[simem:s7], [sflag:s8] =	dma.local @!p0 [hbm:s6], $0xF7A  }
0x23: {  	s9 =	sor.u32 $0xD0000000, s2;
	s6 =	simm.s32 $0x108;
	_ =	swait.ge @!p0 [sflag:s8], $0x0  }
0x24: {  	s3 =	sadd.s32 $0x88, s3;
	s6 =	simm.s32 @!p1 $0x1082;
	[sflag:s4] =	ssyncset.s32 $0xFFFFF086  }
0x25: {  	[simem:s6], [sflag:s4] =	dma.local [hbm:s3], $0xF7A  }
0x26: {  	[smem:$0x3F9F] =	sst s1;
	(tag) =	ssettag s2;
	_ =	strace s9  }
0x27: {  	s1 =	sld [smem:$0x3FAF]  }
0x28: {  	s2 =	sld [smem:$0x3FB0]  }
0x29: {  	s4 =	sld [smem:$0x3FB2]  }
0x2a: {  	p0 =	seq.s32 s5, $0x0;
	s5 =	sld [smem:$0x3FB3]  }
0x2b: {  	s6 =	sld [smem:$0x3FB4]  }
0x2c: {  	s7 =	sld [smem:$0x3FB5]  }
0x2d: {  	s3 =	simm.s32 $0x108;
	s8 =	sld [smem:$0x3FB6]  }
0x2e: {  	s3 =	simm.s32 @!p0 $0x1082;
	s9 =	sld [smem:$0x3FB7]  }
0x2f: {  	lr =	sadd.s32 s0, s3;
	s0 =	sld [smem:$0x3FAE]  }
0x30: {  	s3 =	sld [smem:$0x3FB1]  }
0x31: {  	[smem:$0x3FBA] =	sst s10  }
0x32: {  	s10 =	sld [smem:$0x3FB8];
	_ =	sdelay $0x3  }
0x33: {  	p0 =	seq.s32 s10, $0x1;
	s10 =	sld [smem:$0x3FBA];
	_ =	sdelay $0x3  }
0x34: {  	[smem:$0x3FBA] =	sst s10  }
0x35: {  	s10 =	sld [smem:$0x3FB9];
	_ =	sdelay $0x3  }
0x36: {  	p1 =	seq.s32 s10, $0x1;
	s10 =	sld [smem:$0x3FBA];
	_ =	sdelay $0x3  }
0x37: {  	[smem:$0x3FBA] =	sst s10  }
0x38: {  	s10 =	sld [smem:$0x3FBB]  }
0x39: {  	_ = 	snop;
	(pc) =	sbr.ind lr, $3  }
0x3a: {  	_ = 	snop  }
0x3b: {  	_ = 	snop  }
0x3c: {  	p2 =	seq.s32 s10, $0x1;
	s10 =	sld [smem:$0x3FBA]  }
0x3d: {  	_ =	shalt  }
0x3e: {  	_ =	shalt  }
0x3f: {  	_ =	shalt  }
0x40: {  	_ =	shalt  }
0x41: {  	_ =	shalt  }
0x42: {  	_ =	shalt  }
0x43: {  	_ =	shalt  }
0x44: {  	_ =	shalt  }
0x45: {  	_ =	shalt  }
0x46: {  	_ =	shalt  }
0x47: {  	_ =	shalt  }
0x48: {  	_ =	shalt  }
0x49: {  	_ =	shalt  }
0x4a: {  	_ =	shalt  }
0x4b: {  	_ =	shalt  }
0x4c: {  	_ =	shalt  }
0x4d: {  	_ =	shalt  }
0x4e: {  	_ =	shalt  }
0x4f: {  	_ =	shalt  }
0x50: {  	_ =	shalt  }
0x51: {  	_ =	shalt  }
0x52: {  	_ =	shalt  }
0x53: {  	_ =	shalt  }
0x54: {  	_ =	shalt  }
0x55: {  	_ =	shalt  }
0x56: {  	_ =	shalt  }
0x57: {  	_ =	shalt  }
0x58: {  	_ =	shalt  }
0x59: {  	_ =	shalt  }
0x5a: {  	_ =	shalt  }
0x5b: {  	_ =	shalt  }
0x5c: {  	_ =	shalt  }
0x5d: {  	_ =	shalt  }
0x5e: {  	_ =	shalt  }
0x5f: {  	_ =	shalt  }
0x60: {  	_ =	shalt  }
0x61: {  	_ =	shalt  }
0x62: {  	_ =	shalt  }
0x63: {  	_ =	shalt  }
0x64: {  	_ =	shalt  }
0x65: {  	_ =	shalt  }
0x66: {  	_ =	shalt  }
0x67: {  	_ =	shalt  }
0x68: {  	_ =	shalt  }
0x69: {  	_ =	shalt  }
0x6a: {  	_ =	shalt  }
0x6b: {  	_ =	shalt  }
0x6c: {  	_ =	shalt  }
0x6d: {  	_ =	shalt  }
0x6e: {  	_ =	shalt  }
0x6f: {  	_ =	shalt  }
0x70: {  	_ =	shalt  }
0x71: {  	_ =	shalt  }
0x72: {  	_ =	shalt  }
0x73: {  	_ =	shalt  }
0x74: {  	_ =	shalt  }
0x75: {  	_ =	shalt  }
0x76: {  	_ =	shalt  }
0x77: {  	_ =	shalt  }
0x78: {  	_ =	shalt  }
0x79: {  	_ =	shalt  }
0x7a: {  	_ =	shalt  }
0x7b: {  	_ =	shalt  }
0x7c: {  	_ =	shalt  }
0x7d: {  	_ =	shalt  }
0x7e: {  	_ =	shalt  }
0x7f: {  	_ =	shalt  }
0x80: {  	_ =	shalt  }
0x81: {  	_ =	shalt  }
0x82: {  	_ =	shalt  }
0x83: {  	_ =	shalt  }
0x84: {  	_ =	shalt  }
0x85: {  	_ =	shalt  }
0x86: {  	_ =	shalt  }
0x87: {  	_ =	shalt  }
.Lfunc_end0:
.L_simem_size_0:
called_computation.2_lowered:
.L_overlay_start_0:
0x88: {  	s2 =	sld [smem:$0x3FD9]  }
0x89: {  	s3 =	sld [smem:$0x3FFE];
	_ =	sdelay $0x1  }
0x8a: {  	s1 =	srdreg.scid  }
0x8b: {  	s0 =	sand.u32 $0x1, s1  }
0x8c: {  	s17 =	sshll.u32 s0, $0xA;
	s2 =	sadd.s32 s3, s2  }
0x8d: {  	s2 =	sadd.s32 s2, s17  }
0x8e: {  	[smem:$0x3FC6] =	sst s2  }
0x8f: {  	_ = 	snop  }
0x90: {  	s2 =	sld [smem:$0x3FD0];
	(tm) =	ssettm $0x1  }
0x91: {  	s18 =	sld [smem:$0x3FFB];
	_ =	sdelay $0x3  }
0x92: {  	_ =	strace s18  }
0x93: {  	s3 =	sld [smem:$0x3FFC];
	_ =	sdelay $0x3  }
0x94: {  	_ =	strace s3  }
0x95: {  	s3 =	sld [smem:$0x3FFD];
	_ =	sdelay $0x3  }
0x96: {  	_ =	strace s3  }
0x97: {  	_ =	strace $0x8FFFFFFF  }
0x98: {  	s19 =	sld [smem:$0x3FDB];
	_ =	sdelay $0x1  }
0x99: {  	s4 =	simm.s32 $_scs_section_size  }
0x9a: {  	s5 =	simm.s32 $_size__tile_overlayer_lowered;
	s6 =	simm.s32 $_tile_overlayer_lowered  }
0x9b: {  	s22 =	simm.s32 $0x1BFF;
	s21 =	sshll.u32 s6, $0x1;
	s3 =	sadd.s32 s4, s19  }
0x9c: {  	s7 =	simm.s32 $0x0;
	s20 =	sshll.u32 s5, $0x1;
	s5 =	sadd.s32 s21, s3  }
0x9d: {  	[timem:s7], [sflag:s22] =	dma.local [hbm:s5], s20  }
0x9e: {  	_ =	swait.ge [sflag:s22], s20  }
0x9f: {  	s4 =	ssub.s32 $0x0, s20;
	[sflag:s22] =	ssyncset.done $0x0  }
0xa0: {  	[sflag:s22] =	ssyncadd.s32 s4;
	_ =	sdelay $0x1  }
0xa1: {  	s23 =	simm.s32 $0x1B8B  }
0xa2: {  	_ =	swait.ge [sflag:s23], $0x1  }
0xa3: {  	[sflag:s23] =	ssyncset.done $0x0  }
0xa4: {  	s25 =	simm.s32 $0x1B8E;
	s24 =	sld [smem:$0x3FFE];
	[sflag:s23] =	ssyncadd.s32 $0xFFFFFFFF  }
0xa5: {  	s26 =	simm.s32 $execute0_lowered;
	[smem:$0x3FD2] =	sst s25  }
0xa6: {  	s5 =	sshll.u32 s26, $0x1;
	_ =	strace $0x80000049;
	[dreg:$0x1] =	wrdreg $0xFFFFFFFF  }
0xa7: {  	s28 =	simm.s32 $_size_execute0_lowered;
	s3 =	sadd.s32 s3, s5;
	[dreg:$0x0] =	wrdreg $0x0  }
0xa8: {  	s5 =	sshll.u32 s28, $0x1;
	[dreg:$0x2] =	wrdreg s3  }
0xa9: {  	[dreg:$0x3] =	wrdreg s5  }
0xaa: {  	[dreg:$0x4] =	wrdreg $0xC0  }
0xab: {  	_ =	task [dreg:s7], $0x5FFFF  }
0xac: {  	[dreg:$0x1] =	wrdreg $0xFFFFFFFF  }
0xad: {  	[dreg:$0x0] =	wrdreg $0x60  }
0xae: {  	[dreg:$0x2] =	wrdreg s2  }
0xaf: {  	[dreg:$0x3] =	wrdreg s24  }
0xb0: {  	[dreg:$0x4] =	wrdreg $0x9  }
0xb1: {  	_ =	task.clear_ibuf [dreg:s7], $0x5FFFF;
	_ =	strace $0x90000049  }
0xb2: {  	s29 =	simm.s32 $0x9;
	_ =	strace $0x8000004B  }
0xb3: {  	_ =	swait.ge [sflag:s29], $0x1  }
0xb4: {  	[sflag:s29] =	ssyncadd.s32 $0xFFFFFFFF  }
0xb5: {  	_ =	strace $0x9000004B  }
0xb6: {  	_ =	sfence  }
0xb7: {  	s30 =	sld [smem:$0x0];
	_ =	sdelay $0x2  }
0xb8: {  	s31 =	sshll.u32 s1, $0xD;
	s1 =	sshrl.u32 s1, $0x2  }
0xb9: {  	s3 =	sand.u32 $0x4000, s31;
	s1 =	sadd.s32 s1, s30  }
0xba: {  	s0 =	sor.u32 s3, s0;
	s1 =	sshll.u32 s1, $0x11  }
0xbb: {  	s0 =	sor.u32 s1, s0  }
0xbc: {  	s0 =	sadd.s32 $0x8F2B, s0  }
0xbd: {  	[sflag:s0] =	ssyncadd.remote.s32 $0x1  }
0xbe: {  	_ =	sfence.sel $0xFFFF  }
0xbf: {  	[dreg:$0x0] =	wrdreg $0xFFFFFFFF;
	(pc) =	sbr.abs _section_cstart, $3  }
0xc0: {  	[dreg:$0x1] =	wrdreg $0xFFFFFFFF  }
0xc1: {  	_ =	task.clear_ibuf [dreg:s7], $0x2FFFF;
	_ =	strace $0x9FFFFFFF  }
0xc2: {  	(tm) =	ssettm $0x7FFFFFFF  }
0xc3: {  	_ =	shalt  }
tec
execute0_lowered:
.L_overlay_start_1:
0x0: {  	(tag) =	ssettag $0x1  }
0x1: {  	s6 =	rddreg [dreg:$0x0]  }
0x2: {  	s4 =	rddreg [dreg:$0x1]  }
0x3: {  	s0 =	rddreg [dreg:$0x2];
	s1 =	stileid.u32  }
0x4: {  	s2 =	simm.s32 $0x0;
	s3 =	srdreg.scid;
	s12 =	simm.s32 $0x1E00  }
0x5: {  	s13 =	simm.s32 $0x3A00;
	s14 =	simm.s32 $0x5600;
	s5 =	smul.u32 $0x2D800, s1  }
0x6: {  	s15 =	simm.s32 $0x1;
	s7 =	sand.u32 $0x1, s3;
	s8 =	smul.u32 $0x6800, s1  }
0x7: {  	s16 =	simm.s32 $0x0;
	[smem:$0x7FF] =	sst s2;
	s10 =	smul.u32 $0x3400, s7  }
0x8: {  	s3 =	sadd.s32 $0x27AD400, s4;
	s9 =	ssub.s32 $0x2, s7;
	s7 =	smul.u32 $0x16C00, s7  }
0x9: {  	_ =	strace $0x8000004A;
	s11 =	sshrl.u32 s9, $0x1;
	s5 =	sadd.s32 s5, s4  }
0xa: {  	s30 =	ssub.s32 s9, s11;
	s8 =	sadd.s32 s10, s8;
	s5 =	sadd.s32 s7, s5  }
0xb: {  	s7 =	simm.s32 $0x2;
	s9 =	simm.s32 $0x100;
	s10 =	simm.s32 $0x180  }
0xc: {  	s11 =	simm.s32 $0x200;
	s4 =	smax.u32 s30, $0x1;
	s31 =	sshrl.u32 s8, $0x3  }
0xd: {  	s5 =	sadd.s32 $0xE00, s5;
	s8 =	simm.s32 $0x80;
	s6 =	sadd.s32 s31, s6  }
.LBB2_1:
0xe: {  	s17 =	sadd.s32 $0x0, s6  }
0xf: {  	[tilespmem:s2], [sflag:$0x2] =	stream.linear.gather [hbm4b:s17+s2], $0x80, $0x38;
	[tilespmem:$0x7200] =	vst v63  }
0x10: {  	_ =	swait.ge [sflag:s7], $0x80  }
0x11: {  	[sflag:s7] =	ssyncset.done $0x0  }
0x12: {  	s18 =	sadd.s32 $0x10, s17;
	[sflag:s7] =	ssyncadd.s32 $0xFFFFFF80  }
0x13: {  	[tilespmem:s8], [sflag:$0x2] =	stream.linear.gather [hbm4b:s18+s2], $0x80, $0x38;
	[tilespmem:$0x7200] =	vst v63  }
0x14: {  	_ =	swait.ge [sflag:s7], $0x80  }
0x15: {  	[sflag:s7] =	ssyncset.done $0x0  }
0x16: {  	s31 =	sadd.s32 $0x20, s17;
	[sflag:s7] =	ssyncadd.s32 $0xFFFFFF80  }
0x17: {  	[tilespmem:s9], [sflag:$0x2] =	stream.linear.gather [hbm4b:s31+s2], $0x80, $0x38;
	[tilespmem:$0x7200] =	vst v63  }
0x18: {  	_ =	swait.ge [sflag:s7], $0x80  }
0x19: {  	[sflag:s7] =	ssyncset.done $0x0  }
0x1a: {  	s17 =	sadd.s32 $0x30, s17;
	[sflag:s7] =	ssyncadd.s32 $0xFFFFFF80  }
0x1b: {  	[tilespmem:s10], [sflag:$0x2] =	stream.linear.gather [hbm4b:s17+s2], $0x80, $0x38;
	[tilespmem:$0x7200] =	vst v63  }
0x1c: {  	_ =	swait.ge [sflag:s7], $0x80  }
0x1d: {  	[sflag:s7] =	ssyncset.done $0x0  }
0x1e: {  	[sflag:s7] =	ssyncadd.s32 $0xFFFFFF80  }
0x1f: {  	[tilespmem:s11], [sflag:$0x1] =	stream.indirect.gather [hbm4b:s3+s8], $0x38, s2, s8, $0xb8;
	[tilespmem:$0x7200] =	vst v63  }
0x20: {  	_ = 	snop  }
0x21: {  	[tilespmem:s12], [sflag:$0x1] =	stream.indirect.gather [hbm4b:s3+s8], $0x38, s8, s8, $0xb8;
	[tilespmem:$0x7200] =	vst v63  }
0x22: {  	_ = 	snop  }
0x23: {  	[tilespmem:s13], [sflag:$0x1] =	stream.indirect.gather [hbm4b:s3+s8], $0x38, s9, s8, $0xb8;
	[tilespmem:$0x7200] =	vst v63  }
0x24: {  	_ = 	snop  }
0x25: {  	[tilespmem:s14], [sflag:$0x1] =	stream.indirect.gather [hbm4b:s3+s8], $0x38, s10, s8, $0xb8;
	[tilespmem:$0x7200] =	vst v63  }
0x26: {  	_ =	swait.ge [sflag:s15], $0x1C00  }
0x27: {  	[sflag:s15] =	ssyncset.done $0x0  }
0x28: {  	[sflag:s15] =	ssyncadd.s32 $0xFFFFE400  }
0x29: {  	_ =	swait.ge [sflag:s15], $0x1C00  }
0x2a: {  	[sflag:s15] =	ssyncset.done $0x0  }
0x2b: {  	[sflag:s15] =	ssyncadd.s32 $0xFFFFE400  }
0x2c: {  	_ =	swait.ge [sflag:s15], $0x1C00  }
0x2d: {  	[sflag:s15] =	ssyncset.done $0x0  }
0x2e: {  	[sflag:s15] =	ssyncadd.s32 $0xFFFFE400  }
0x2f: {  	_ =	swait.ge [sflag:s15], $0x1C00  }
0x30: {  	[sflag:s15] =	ssyncset.done $0x0  }
0x31: {  	[sflag:s15] =	ssyncadd.s32 $0xFFFFE400  }
0x32: {  	[hbm4b:s5+s2] =	stream.linear.scatter [tilespmem:s11], [sflag:$0x2], $0x7000, $0x38;
	[tilespmem:$0x7200] =	vst v63  }
0x33: {  	s20 =	simm.s32 $0x80;
	_ =	swait.ge [sflag:s7], $0x7000  }
0x34: {  	s18 =	simm.s32 $0x40;
	s17 =	sadd.s32 $0xE00, s5;
	[sflag:s7] =	ssyncset.done $0x0  }
.LBB2_2:
0x35: {  	s21 =	sadd.s32 s18, s6  }
0x36: {  	[sflag:s7] =	ssyncadd.s32 $0xFFFF9000;
	s18 =	smov.u32 s20;
	s19 =	sadd.s32 $0x40, s20  }
0x37: {  	[tilespmem:s2], [sflag:$0x2] =	stream.linear.gather [hbm4b:s21+s2], $0x80, $0x38;
	[tilespmem:$0x7200] =	vst v63  }
0x38: {  	p0 =	sne.s32 s20, $0x640;
	_ =	swait.ge [sflag:s7], $0x80  }
0x39: {  	[sflag:s7] =	ssyncset.done $0x0  }
0x3a: {  	s20 =	sadd.s32 $0x10, s21;
	[sflag:s7] =	ssyncadd.s32 $0xFFFFFF80  }
0x3b: {  	[tilespmem:s8], [sflag:$0x2] =	stream.linear.gather [hbm4b:s20+s2], $0x80, $0x38;
	[tilespmem:$0x7200] =	vst v63  }
0x3c: {  	_ =	swait.ge [sflag:s7], $0x80  }
0x3d: {  	[sflag:s7] =	ssyncset.done $0x0  }
0x3e: {  	s20 =	sadd.s32 $0x20, s21;
	[sflag:s7] =	ssyncadd.s32 $0xFFFFFF80  }
0x3f: {  	[tilespmem:s9], [sflag:$0x2] =	stream.linear.gather [hbm4b:s20+s2], $0x80, $0x38;
	[tilespmem:$0x7200] =	vst v63  }
0x40: {  	_ =	swait.ge [sflag:s7], $0x80  }
0x41: {  	[sflag:s7] =	ssyncset.done $0x0  }
0x42: {  	s20 =	sadd.s32 $0x30, s21;
	[sflag:s7] =	ssyncadd.s32 $0xFFFFFF80  }
0x43: {  	[tilespmem:s10], [sflag:$0x2] =	stream.linear.gather [hbm4b:s20+s2], $0x80, $0x38;
	[tilespmem:$0x7200] =	vst v63  }
0x44: {  	_ =	swait.ge [sflag:s7], $0x80  }
0x45: {  	[sflag:s7] =	ssyncset.done $0x0  }
0x46: {  	[sflag:s7] =	ssyncadd.s32 $0xFFFFFF80  }
0x47: {  	[tilespmem:s11], [sflag:$0x1] =	stream.indirect.gather [hbm4b:s3+s8], $0x38, s2, s8, $0xb8;
	[tilespmem:$0x7200] =	vst v63  }
0x48: {  	_ = 	snop  }
0x49: {  	[tilespmem:s12], [sflag:$0x1] =	stream.indirect.gather [hbm4b:s3+s8], $0x38, s8, s8, $0xb8;
	[tilespmem:$0x7200] =	vst v63  }
0x4a: {  	_ = 	snop  }
0x4b: {  	[tilespmem:s13], [sflag:$0x1] =	stream.indirect.gather [hbm4b:s3+s8], $0x38, s9, s8, $0xb8;
	[tilespmem:$0x7200] =	vst v63  }
0x4c: {  	_ = 	snop  }
0x4d: {  	[tilespmem:s14], [sflag:$0x1] =	stream.indirect.gather [hbm4b:s3+s8], $0x38, s10, s8, $0xb8;
	[tilespmem:$0x7200] =	vst v63  }
0x4e: {  	_ =	swait.ge [sflag:s15], $0x1C00  }
0x4f: {  	[sflag:s15] =	ssyncset.done $0x0  }
0x50: {  	[sflag:s15] =	ssyncadd.s32 $0xFFFFE400  }
0x51: {  	_ =	swait.ge [sflag:s15], $0x1C00  }
0x52: {  	[sflag:s15] =	ssyncset.done $0x0  }
0x53: {  	[sflag:s15] =	ssyncadd.s32 $0xFFFFE400  }
0x54: {  	_ =	swait.ge [sflag:s15], $0x1C00  }
0x55: {  	[sflag:s15] =	ssyncset.done $0x0  }
0x56: {  	[sflag:s15] =	ssyncadd.s32 $0xFFFFE400  }
0x57: {  	_ =	swait.ge [sflag:s15], $0x1C00  }
.Ltmp0:
0x58: {  	[sflag:s15] =	ssyncset.done $0x0;
	(pc) =	sbr.rel @p0 .LBB2_2-.Ltmp0, $4  }
0x59: {  	[sflag:s15] =	ssyncadd.s32 $0xFFFFE400  }
0x5a: {  	[hbm4b:s17+s2] =	stream.linear.scatter [tilespmem:s11], [sflag:$0x2], $0x7000, $0x38;
	[tilespmem:$0x7200] =	vst v63  }
0x5b: {  	_ =	swait.ge [sflag:s7], $0x7000  }
0x5c: {  	s20 =	smov.u32 s19;
	s17 =	sadd.s32 $0xE00, s17;
	[sflag:s7] =	ssyncset.done $0x0  }
0x5d: {  	s18 =	sadd.s32 s18, s6;
	[sflag:s7] =	ssyncadd.s32 $0xFFFF9000  }
0x5e: {  	[tilespmem:s2], [sflag:$0x2] =	stream.linear.gather [hbm4b:s18+s2], $0x80, $0x38;
	[tilespmem:$0x7200] =	vst v63  }
0x5f: {  	_ =	swait.ge [sflag:s7], $0x80  }
0x60: {  	[sflag:s7] =	ssyncset.done $0x0  }
0x61: {  	s19 =	sadd.s32 $0x10, s18;
	[sflag:s7] =	ssyncadd.s32 $0xFFFFFF80  }
0x62: {  	[tilespmem:s8], [sflag:$0x2] =	stream.linear.gather [hbm4b:s19+s2], $0x80, $0x38;
	[tilespmem:$0x7200] =	vst v63  }
0x63: {  	_ =	swait.ge [sflag:s7], $0x80  }
0x64: {  	[sflag:s7] =	ssyncset.done $0x0  }
0x65: {  	s31 =	sadd.s32 $0x20, s18;
	[sflag:s7] =	ssyncadd.s32 $0xFFFFFF80  }
0x66: {  	[tilespmem:s9], [sflag:$0x2] =	stream.linear.gather [hbm4b:s31+s2], $0x80, $0x38;
	[tilespmem:$0x7200] =	vst v63  }
0x67: {  	_ =	swait.ge [sflag:s7], $0x80  }
0x68: {  	[sflag:s7] =	ssyncset.done $0x0  }
0x69: {  	s18 =	sadd.s32 $0x30, s18;
	[sflag:s7] =	ssyncadd.s32 $0xFFFFFF80  }
0x6a: {  	[tilespmem:s10], [sflag:$0x2] =	stream.linear.gather [hbm4b:s18+s2], $0x80, $0x38;
	[tilespmem:$0x7200] =	vst v63  }
0x6b: {  	_ =	swait.ge [sflag:s7], $0x80  }
0x6c: {  	[sflag:s7] =	ssyncset.done $0x0  }
0x6d: {  	[sflag:s7] =	ssyncadd.s32 $0xFFFFFF80  }
0x6e: {  	[tilespmem:s11], [sflag:$0x1] =	stream.indirect.gather [hbm4b:s3+s8], $0x38, s2, s8, $0xb8;
	[tilespmem:$0x7200] =	vst v63  }
0x6f: {  	_ = 	snop  }
0x70: {  	[tilespmem:s12], [sflag:$0x1] =	stream.indirect.gather [hbm4b:s3+s8], $0x38, s8, s8, $0xb8;
	[tilespmem:$0x7200] =	vst v63  }
0x71: {  	_ = 	snop  }
0x72: {  	[tilespmem:s13], [sflag:$0x1] =	stream.indirect.gather [hbm4b:s3+s8], $0x38, s9, s8, $0xb8;
	[tilespmem:$0x7200] =	vst v63  }
0x73: {  	_ = 	snop  }
0x74: {  	[tilespmem:s14], [sflag:$0x1] =	stream.indirect.gather [hbm4b:s3+s8], $0x38, s10, s8, $0xb8;
	[tilespmem:$0x7200] =	vst v63  }
0x75: {  	_ =	swait.ge [sflag:s15], $0x1C00  }
0x76: {  	[sflag:s15] =	ssyncset.done $0x0  }
0x77: {  	[sflag:s15] =	ssyncadd.s32 $0xFFFFE400  }
0x78: {  	_ =	swait.ge [sflag:s15], $0x1C00  }
0x79: {  	[sflag:s15] =	ssyncset.done $0x0  }
0x7a: {  	[sflag:s15] =	ssyncadd.s32 $0xFFFFE400  }
0x7b: {  	_ =	swait.ge [sflag:s15], $0x1C00  }
0x7c: {  	[sflag:s15] =	ssyncset.done $0x0  }
0x7d: {  	[sflag:s15] =	ssyncadd.s32 $0xFFFFE400  }
0x7e: {  	s16 =	sadd.s32 $0x1, s16;
	_ =	swait.ge [sflag:s15], $0x1C00  }
0x7f: {  	p0 =	sne.s32 s16, s4;
	[sflag:s15] =	ssyncset.done $0x0  }
.Ltmp1:
0x80: {  	[sflag:s15] =	ssyncadd.s32 $0xFFFFE400;
	(pc) =	sbr.rel @p0 .LBB2_1-.Ltmp1, $4  }
0x81: {  	[hbm4b:s17+s2] =	stream.linear.scatter [tilespmem:s11], [sflag:$0x2], $0x7000, $0x38;
	[tilespmem:$0x7200] =	vst v63  }
0x82: {  	_ =	swait.ge [sflag:s7], $0x7000  }
0x83: {  	[sflag:s7] =	ssyncset.done $0x0  }
0x84: {  	[sflag:s7] =	ssyncadd.s32 $0xFFFF9000  }
0x85: {  	_ =	sfence.sel $0x180000  }
0x86: {  	[bflag:$0x0] =	sbarrier.arrive $0xFFFF  }
0x87: {  	p0 =	sne.s32 s1, $0x0;
	_ =	strace $0x9000004A  }
0x88: {  	s0 =	sadd.s32 @!p0 $0x100000, s0;
	[bflag:$0x2] =	sbarrier.arrive $0xFFFF  }
0x89: {  	[sflag:s0] =	ssyncadd.tile.s32 @!p0 $0x1;
	_ =	shalt  }
.Lfunc_end2:
_tile_overlayer_lowered:
.L_overlay_start_2:
0x8a: {  	(tag) =	ssettag $0x2  }
0x8b: {  	s0 =	rddreg [dreg:$0x0];
	s2 =	stileid.u32  }
0x8c: {  	s1 =	rddreg [dreg:$0x1];
	p0 =	sne.s32 s2, $0x0  }
0x8d: {  	s3 =	rddreg [dreg:$0x2];
	[bflag:$0x3] =	sbarrier.arrive $0xFFFF;
	s2 =	simm.s32 @!p0 $0x1C02  }
0x8e: {  	[timem:s3], [sflag:s2] =	dma.local @!p0 [hbm:s0], s1  }
0x8f: {  	s0 =	simm.s32 @!p0 $0x2  }
0x90: {  	_ =	swait.ge @!p0 [sflag:s0], s1  }
0x91: {  	s1 =	ssub.s32 @!p0 $0x0, s1;
	[sflag:s0] =	ssyncset.done @!p0 $0x0  }
0x92: {  	[sflag:s0] =	ssyncadd.s32 @!p0 s1  }
0x93: {  	[bflag:$0x3] =	sbarrier.arrive $0xFFFF  }
0x94: {  	_ =	shalt  }

// kernel: sparse-core-data-format-call.1.cloned.1.call-start
scs
called_computation.1_lowered:
.L_overlay_start_0:
0x0: {  	s2 =	sld [smem:$0x3FD9]  }
0x1: {  	s3 =	sld [smem:$0x3FFE];
	_ =	sdelay $0x1  }
0x2: {  	s1 =	srdreg.scid  }
0x3: {  	s0 =	sand.u32 $0x1, s1  }
0x4: {  	s18 =	sshll.u32 s0, $0xA;
	s2 =	sadd.s32 s3, s2  }
0x5: {  	s2 =	sadd.s32 s2, s18  }
0x6: {  	[smem:$0x3FC6] =	sst s2  }
0x7: {  	_ = 	snop  }
0x8: {  	s2 =	sld [smem:$0x3FC8];
	(tm) =	ssettm $0x1  }
0x9: {  	s19 =	sld [smem:$0x3FFB];
	_ =	sdelay $0x3  }
0xa: {  	_ =	strace s19  }
0xb: {  	s3 =	sld [smem:$0x3FFC];
	_ =	sdelay $0x3  }
0xc: {  	_ =	strace s3  }
0xd: {  	s3 =	sld [smem:$0x3FFD];
	_ =	sdelay $0x3  }
0xe: {  	_ =	strace s3  }
0xf: {  	_ =	strace $0x8FFFFFFF  }
0x10: {  	s20 =	sld [smem:$0x3FDB];
	_ =	sdelay $0x1  }
0x11: {  	s4 =	simm.s32 $_scs_section_size  }
0x12: {  	s5 =	simm.s32 $_size__tile_overlayer_lowered;
	s6 =	simm.s32 $_tile_overlayer_lowered  }
0x13: {  	s23 =	simm.s32 $0x1BFF;
	s22 =	sshll.u32 s6, $0x1;
	s3 =	sadd.s32 s4, s20  }
0x14: {  	s7 =	simm.s32 $0x0;
	s21 =	sshll.u32 s5, $0x1;
	s5 =	sadd.s32 s22, s3  }
0x15: {  	[timem:s7], [sflag:s23] =	dma.local [hbm:s5], s21  }
0x16: {  	_ =	swait.ge [sflag:s23], s21  }
0x17: {  	s4 =	ssub.s32 $0x0, s21;
	[sflag:s23] =	ssyncset.done $0x0  }
0x18: {  	[sflag:s23] =	ssyncadd.s32 s4;
	_ =	sdelay $0x1  }
0x19: {  	s24 =	simm.s32 $0x1B8B  }
0x1a: {  	_ =	swait.ge [sflag:s24], $0x1  }
0x1b: {  	[sflag:s24] =	ssyncset.done $0x0  }
0x1c: {  	s26 =	simm.s32 $0x1B8E;
	s25 =	sld [smem:$0x3FFE];
	[sflag:s24] =	ssyncadd.s32 $0xFFFFFFFF  }
0x1d: {  	s27 =	simm.s32 $execute0_lowered;
	[smem:$0x3FD2] =	sst s26  }
0x1e: {  	s5 =	sshll.u32 s27, $0x1;
	_ =	strace $0x80000046;
	[dreg:$0x1] =	wrdreg $0xFFFFFFFF  }
0x1f: {  	s28 =	simm.s32 $_size_execute0_lowered;
	s3 =	sadd.s32 s3, s5;
	[dreg:$0x0] =	wrdreg $0x0  }
0x20: {  	s5 =	sshll.u32 s28, $0x1;
	[dreg:$0x2] =	wrdreg s3  }
0x21: {  	[dreg:$0x3] =	wrdreg s5  }
0x22: {  	[dreg:$0x4] =	wrdreg $0xC0  }
0x23: {  	_ =	task [dreg:s7], $0x5FFFF  }
0x24: {  	[dreg:$0x1] =	wrdreg $0xFFFFFFFF  }
0x25: {  	[dreg:$0x0] =	wrdreg $0x60  }
0x26: {  	[dreg:$0x2] =	wrdreg s2  }
0x27: {  	[dreg:$0x3] =	wrdreg s25  }
0x28: {  	[dreg:$0x4] =	wrdreg $0x9  }
0x29: {  	_ =	task.clear_ibuf [dreg:s7], $0x5FFFF;
	_ =	strace $0x90000046  }
0x2a: {  	s29 =	simm.s32 $0x9;
	_ =	strace $0x80000048  }
0x2b: {  	_ =	swait.ge [sflag:s29], $0x1  }
0x2c: {  	[sflag:s29] =	ssyncadd.s32 $0xFFFFFFFF  }
0x2d: {  	_ =	strace $0x90000048  }
0x2e: {  	_ =	sfence  }
0x2f: {  	s30 =	sld [smem:$0x0];
	_ =	sdelay $0x2  }
0x30: {  	s31 =	sshll.u32 s1, $0xD;
	s1 =	sshrl.u32 s1, $0x2  }
0x31: {  	s3 =	sand.u32 $0x4000, s31;
	s1 =	sadd.s32 s1, s30  }
0x32: {  	s0 =	sor.u32 s3, s0;
	s1 =	sshll.u32 s1, $0x11  }
0x33: {  	s0 =	sor.u32 s1, s0  }
0x34: {  	s0 =	sadd.s32 $0x8F2B, s0  }
0x35: {  	[sflag:s0] =	ssyncadd.remote.s32 $0x1  }
0x36: {  	_ =	sfence.sel $0xFFFF  }
0x37: {  	[dreg:$0x0] =	wrdreg $0xFFFFFFFF;
	(pc) =	sbr.abs _section_cstart, $3  }
0x38: {  	[dreg:$0x1] =	wrdreg $0xFFFFFFFF  }
0x39: {  	_ =	task.clear_ibuf [dreg:s7], $0x2FFFF;
	_ =	strace $0x9FFFFFFF  }
0x3a: {  	(tm) =	ssettm $0x7FFFFFFF  }
0x3b: {  	_ =	shalt  }
tec
execute0_lowered:
.L_overlay_start_1:
0x0: {  	(tag) =	ssettag $0x1  }
0x1: {  	s0 =	srdreg.scid  }
0x2: {  	s0 =	sshll.u32 s0, $0x4  }
0x3: {  	s1 =	stileid.u32;
	s0 =	sand.u32 $0x10, s0  }
0x4: {  	s28 =	rddreg [dreg:$0x1];
	s0 =	sor.u32 s1, s0  }
0x5: {  	_ =	strace $0x80000047;
	s2 =	simm.s32 $0x1;
	s3 =	sshll.u32 s0, $0x8  }
0x6: {  	s30 =	simm.s32 $0x2;
	s16 =	simm.s32 $0x0;
	s29 =	ssub.s32 $0x18600, s3  }
0x7: {  	s17 =	simm.s32 $0x0;
	s18 =	simm.s32 $0x0;
	s1 =	sshrl.u32 s29, $0xD  }
0x8: {  	s9 =	simm.s32 $0x0;
	s10 =	simm.s32 $0x0;
	s1 =	smul.u32 $0x1A, s1  }
.Ltmp0:
0x9: {  	s12 =	simm.s32 $0x0;
	s0 =	sadd.s32 $0xE00, s28;
	(pc) =	sbr.rel .LBB1_1-.Ltmp0, $4  }
0xa: {  	s13 =	simm.s32 $0x0;
	s14 =	simm.s32 $0x0;
	[dreg:$0x7] =	wrdreg s0  }
0xb: {  	s15 =	simm.s32 $0x0;
	[dreg:$0x6] =	wrdreg s3;
	s31 =	sadd.s32 $0x1A, s1  }
0xc: {  	[sflag:s2] =	ssyncpa.u1 $0x0;
	s8 =	sadd.s32 $0x1B, s1;
	[dreg:$0x8] =	wrdreg s31  }
0xd: {  	[sflag:s30] =	ssyncpa.u1 $0x0;
	s11 =	smov.u32 s3;
	[dreg:$0x9] =	wrdreg s8  }
.LBB1_16:
0xe: {  	s9 =	rddreg [dreg:$0xa]  }
0xf: {  	s10 =	rddreg [dreg:$0xb]  }
0x10: {  	s3 =	rddreg [dreg:$0x15]  }
0x11: {  	s5 =	rddreg [dreg:$0x16]  }
0x12: {  	s23 =	rddreg [dreg:$0x14]  }
0x13: {  	s12 =	rddreg [dreg:$0xd]  }
0x14: {  	s26 =	rddreg [dreg:$0x7]  }
0x15: {  	s29 =	rddreg [dreg:$0x17]  }
0x16: {  	s8 =	rddreg [dreg:$0x9]  }
0x17: {  	s11 =	rddreg [dreg:$0xc]  }
0x18: {  	s13 =	rddreg [dreg:$0xe]  }
0x19: {  	s14 =	rddreg [dreg:$0xf]  }
0x1a: {  	s15 =	rddreg [dreg:$0x10]  }
0x1b: {  	s16 =	rddreg [dreg:$0x11]  }
0x1c: {  	s17 =	rddreg [dreg:$0x12]  }
0x1d: {  	s31 =	simm.s32 $0x80;
	s18 =	rddreg [dreg:$0x13]  }
0x1e: {  	s0 =	sshll.u32 s9, $0x7;
	s1 =	sshll.u32 s10, $0x3;
	p0 =	sgt.s32 s10, $0x40  }
0x1f: {  	s24 =	smul.u32 $0x186A80, s12;
	s2 =	sand.u32 $0xFFFFFC00, s0;
	s1 =	sand.u32 $0xFFFFFC00, s1  }
0x20: {  	s0 =	sand.u32 $0x380, s0;
	s1 =	sadd.s32 s1, s2;
	s2 =	smov.u32 s10  }
0x21: {  	s0 =	sor.u32 s0, s1;
	s2 =	simm.s32 @!p0 $0x40;
	p0 =	sgt.s32 s9, $0x185A8  }
0x22: {  	s1 =	smov.u32 s9;
	s0 =	sshrl.u32 s0, $0x7;
	s2 =	sadd.s32 s3, s2  }
0x23: {  	s1 =	simm.s32 @!p0 $0x185A8;
	s21 =	smulhi.u32 $0xA7C23D, s0;
	s4 =	sadd.s32 $0xFFFFFFC0, s2  }
0x24: {  	s1 =	sadd.s32 s5, s1;
	s2 =	ssub.s32 $0x80, s2;
	p0 =	sgt.s32 s4, $0x3F  }
0x25: {  	s22 =	sadd.s32 $0xFFFE7A58, s1;
	s1 =	ssub.s32 $0x186A8, s1;
	s2 =	simm.s32 @p0 $0x0  }
0x26: {  	s3 =	sshrl.u32 s21, $0x8;
	p0 =	sgt.s32 s22, $0xFF;
	s2 =	smul.u32 s23, s2  }
0x27: {  	s27 =	sand.u32 $0x7, s10;
	s3 =	smul.u32 $0x186A8, s3;
	s1 =	simm.s32 @p0 $0x0  }
0x28: {  	s25 =	sshrl.u32 s10, $0x3;
	s28 =	sshll.u32 s27, $0x12;
	s1 =	smul.u32 s1, s2  }
0x29: {  	s0 =	ssub.s32 s0, s3;
	s3 =	sand.u32 $0xF, s25;
	s2 =	sadd.s32 s26, s24  }
0x2a: {  	s30 =	sor.u32 $0x40, s28;
	s0 =	sshll.u32 s0, $0x4;
	s2 =	sadd.s32 s3, s2  }
0x2b: {  	s4 =	sor.u32 $0x8000, s29;
	s1 =	sand.u32 $0x3FFFFFFF, s1;
	s0 =	sadd.s32 s0, s2  }
0x2c: {  	[hbm4b:s0+s30] =	stream.strided.scatter [tilespmem:s4], [sflag:$0x2], s1, s31, s30, $0x18;
	[tilespmem:$0x10200] =	vst v63  }
.LBB1_17:
0x2d: {  	p0 =	slt.u32 s15, $0x2;
	s0 =	smov.u32 s18;
	s2 =	smov.u32 s17  }
0x2e: {  	p1 =	sgt.s32 @!p0 s18, $0x19;
	s1 =	sshra.s32 @!p0 s18, $0x1F;
	p2 =	sgt.s32 @!p0 s16, $0x185A8  }
0x2f: {  	p3 =	sgt.s32 @!p0 s17, $0x40;
	s3 =	sshra.s32 @!p0 s17, $0x1F;
	p1 =	por !p1, p0  }
0x30: {  	s1 =	sand.u32 @!p0 s1, s18;
	p2 =	por !p2, p0;
	p3 =	por !p3, p0  }
0x31: {  	s3 =	sand.u32 @!p0 s3, s17;
	s0 =	simm.s32 @p1 $0x19;
	s2 =	simm.s32 @p3 $0x40  }
0x32: {  	s0 =	ssub.s32 @!p0 s0, s1;
	s2 =	ssub.s32 @!p0 s2, s3;
	s3 =	sshra.s32 @!p0 s16, $0x1F  }
0x33: {  	s1 =	sadd.s32 @!p0 $0xFFFFFFE7, s0;
	s0 =	ssub.s32 @!p0 $0x1A, s0;
	s3 =	sand.u32 @!p0 s3, s16  }
0x34: {  	s4 =	sadd.s32 @!p0 $0xFFFFFFC0, s2;
	p1 =	sgt.s32 @!p0 s1, $0x0;
	s1 =	smov.u32 s16  }
0x35: {  	s2 =	ssub.s32 @!p0 $0x80, s2;
	s1 =	simm.s32 @p2 $0x185A8;
	p1 =	por !p1, p0  }
0x36: {  	s0 =	simm.s32 @!p1 $0x0;
	s1 =	ssub.s32 @!p0 s1, s3;
	p1 =	sgt.s32 @!p0 s4, $0x3F  }
0x37: {  	s4 =	smov.u32 s13;
	s3 =	sadd.s32 @!p0 $0xFFFE7A58, s1;
	p1 =	por !p1, p0  }
0x38: {  	s1 =	ssub.s32 @!p0 $0x186A8, s1;
	s2 =	simm.s32 @!p1 $0x0;
	p1 =	sgt.s32 @!p0 s3, $0xFF  }
0x39: {  	p1 =	por !p1, p0;
	s0 =	smul.u32 @!p0 s0, s2;
	s2 =	sadd.s32 $0x2000, s11  }
0x3a: {  	s3 =	sadd.s32 $0x40, s13;
	s1 =	simm.s32 @!p1 $0x0;
	p1 =	sgt.s32 s2, $0x186A0  }
0x3b: {  	s0 =	smul.u32 @!p0 s1, s0;
	s4 =	smov.u32 @p1 s3;
	s1 =	rddreg [dreg:$0x6]  }
0x3c: {  	s2 =	smov.u32 @p1 s1;
	p1 =	sgt.s32 s4, $0x31;
	s1 =	simm.s32 $0x1  }
0x3d: {  	s1 =	simm.s32 @!p1 $0x0  }
0x3e: {  	s1 =	sadd.s32 s1, s14  }
0x3f: {  	s17 =	smov.u32 s10;
	s4 =	simm.s32 @p1 $0x0;
	p1 =	sgt.s32 s1, $0x19  }
0x40: {  	s18 =	smov.u32 s12;
	s1 =	simm.s32 @p1 $0x0;
	p1 =	sne.s32 s15, s8  }
.Ltmp1:
0x41: {  	s10 =	smov.u32 s13;
	s12 =	smov.u32 s14;
	(pc) =	sbr.rel @!p1 .LBB1_18-.Ltmp1, $4  }
0x42: {  	s16 =	smov.u32 s9;
	s3 =	simm.s32 @!p0 $0x2;
	s0 =	sand.u32 @!p0 $0x3FFFFFFF, s0  }
0x43: {  	s9 =	smov.u32 s11;
	s11 =	smov.u32 s2;
	_ =	swait.ge @!p0 [sflag:s3], s0  }
0x44: {  	s0 =	ssub.s32 @!p0 $0x0, s0;
	s13 =	smov.u32 s4;
	[sflag:s3] =	ssyncset.done @!p0 $0x0  }
0x45: {  	s15 =	sadd.s32 $0x1, s15;
	[sflag:s3] =	ssyncadd.s32 @!p0 s0;
	s14 =	smov.u32 s1  }
.LBB1_1:
0x46: {  	s0 =	rddreg [dreg:$0x8]  }
0x47: {  	p0 =	sge.u32 s15, s0  }
.Ltmp2:
0x48: {  	_ = 	snop;
	(pc) =	sbr.rel @p0 .LBB1_3-.Ltmp2, $1  }
0x49: {  	_ =	sdelay $0x3  }
0x4a: {  	s0 =	sshrl.u32 s13, $0x3;
	s1 =	sshll.u32 s11, $0x3;
	s20 =	sshll.u32 s13, $0x7  }
0x4b: {  	p0 =	sgt.s32 s14, $0x19;
	s2 =	smov.u32 s14;
	s3 =	sshra.s32 s14, $0x1F  }
0x4c: {  	s22 =	sand.u32 $0x7F, s11;
	s5 =	sshra.s32 s13, $0x1F;
	s29 =	smul.u32 $0xAB100, s14  }
0x4d: {  	s6 =	sshra.s32 s11, $0x1F;
	s28 =	sxor.u32 $0xFFFFFFFF, s15;
	s0 =	smul.u32 $0xC3800, s0  }
0x4e: {  	s30 =	rddreg [dreg:$0x0];
	s1 =	sand.u32 $0xFFFFFC00, s1;
	s2 =	simm.s32 @!p0 $0x19  }
0x4f: {  	s21 =	sand.u32 s3, s14;
	s0 =	sadd.s32 s0, s1;
	s1 =	sand.u32 $0x380, s20  }
0x50: {  	s5 =	sand.u32 s5, s13;
	s0 =	sor.u32 s1, s0;
	s1 =	ssub.s32 s2, s21  }
0x51: {  	s6 =	sand.u32 s6, s11;
	s4 =	smulhi.u32 $0xA79C7B17, s0;
	s2 =	sadd.s32 $0xFFFFFFE7, s1  }
0x52: {  	s0 =	sor.u32 s22, s0;
	s1 =	ssub.s32 $0x1A, s1;
	p0 =	sgt.s32 s2, $0x0  }
0x53: {  	s2 =	smov.u32 s13;
	s1 =	simm.s32 @p0 $0x0;
	p0 =	sgt.s32 s13, $0xFFFFFFF8  }
0x54: {  	s24 =	smulhi.u32 $0xA79C7B17, s0;
	s23 =	sshrl.u32 s4, $0x13;
	s2 =	simm.s32 @!p0 $0xFFFFFFF8  }
0x55: {  	s3 =	smul.u32 $0x2493, s23;
	p0 =	sgt.s32 s11, $0x18600;
	s2 =	ssub.s32 s2, s5  }
0x56: {  	s27 =	sshrl.u32 s24, $0x10;
	s5 =	smov.u32 s11;
	s7 =	sadd.s32 $0x8, s2  }
0x57: {  	s5 =	simm.s32 @!p0 $0x18600;
	s2 =	ssub.s32 $0x38, s2;
	p0 =	sgt.s32 s7, $0x3F  }
0x58: {  	s26 =	sshrl.u32 s3, $0x10;
	s3 =	smul.u32 $0x18700, s27;
	s2 =	simm.s32 @p0 $0x0  }
0x59: {  	s31 =	simm.s32 $0xC3800;
	s5 =	ssub.s32 s5, s6;
	s1 =	smul.u32 s1, s2  }
0x5a: {  	s4 =	sshrl.u32 s4, $0x10;
	s25 =	sadd.s32 $0xFFFE7A00, s5;
	s2 =	smul.u32 $0x38, s26  }
0x5b: {  	s5 =	ssub.s32 $0x18700, s5;
	s0 =	ssub.s32 s0, s3;
	p0 =	sgt.s32 s25, $0xFF  }
0x5c: {  	s3 =	sshrl.u32 s0, $0x3;
	s5 =	simm.s32 @p0 $0x0;
	s2 =	ssub.s32 s4, s2  }
0x5d: {  	s0 =	sand.u32 $0x7, s0;
	s1 =	smul.u32 s5, s1;
	s2 =	sand.u32 $0xFFFF, s2  }
0x5e: {  	s0 =	sshll.u32 s0, $0x12;
	s5 =	sadd.s32 s30, s29;
	s2 =	smul.u32 $0x30E0, s2  }
0x5f: {  	s4 =	sshll.u32 s28, $0xE;
	s0 =	sor.u32 $0x800, s0;
	s3 =	sadd.s32 s3, s5  }
0x60: {  	s4 =	sand.u32 $0x4000, s4;
	s1 =	sand.u32 $0x3FFFFFFF, s1;
	s2 =	sadd.s32 s2, s3  }
0x61: {  	[tilespmem:s4], [sflag:$0x1] =	stream.strided.gather [hbm4b:s2+s0], s1, s31, s0, $0x38;
	[tilespmem:$0x10200] =	vst v63  }
.LBB1_3:
0x62: {  	p0 =	seq.s32 s15, $0x0  }
0x63: {  	p1 =	sge.u32 @!p0 s15, s8  }
0x64: {  	p0 =	por p0, p1  }
.Ltmp3:
0x65: {  	_ = 	snop;
	(pc) =	sbr.rel @p0 .LBB1_17-.Ltmp3, $1  }
0x66: {  	_ =	sdelay $0x3  }
0x67: {  	[dreg:$0x13] =	wrdreg s18  }
0x68: {  	[dreg:$0x12] =	wrdreg s17  }
0x69: {  	[dreg:$0x11] =	wrdreg s16  }
0x6a: {  	[dreg:$0xf] =	wrdreg s14  }
0x6b: {  	[dreg:$0xe] =	wrdreg s13  }
0x6c: {  	[dreg:$0xc] =	wrdreg s11;
	p0 =	sgt.s32 s12, $0x19  }
0x6d: {  	s0 =	smov.u32 s12;
	s1 =	sshra.s32 s12, $0x1F;
	s25 =	ssub.s32 $0x0, s10  }
0x6e: {  	s2 =	sshra.s32 s10, $0x1F;
	s3 =	smov.u32 s10;
	p1 =	sgt.s32 s9, $0x18600  }
0x6f: {  	s27 =	ssub.s32 $0x0, s9;
	[dreg:$0xa] =	wrdreg s9;
	s28 =	sshra.s32 s9, $0x1F  }
0x70: {  	[dreg:$0xd] =	wrdreg s12;
	s0 =	simm.s32 @!p0 $0x19;
	s1 =	sand.u32 s1, s12  }
0x71: {  	p0 =	sgt.s32 s10, $0xFFFFFFF8;
	s29 =	sand.u32 s27, s28;
	s0 =	ssub.s32 s0, s1  }
0x72: {  	s1 =	sand.u32 s25, s2;
	s3 =	simm.s32 @!p0 $0xFFFFFFF8;
	s2 =	smov.u32 s9  }
0x73: {  	s4 =	sadd.s32 $0xFFFFFFE7, s0;
	[dreg:$0x15] =	wrdreg s1;
	s1 =	sadd.s32 s1, s3  }
0x74: {  	s5 =	ssub.s32 $0x1A, s0;
	s2 =	simm.s32 @!p1 $0x18600;
	p0 =	sgt.s32 s4, $0x0  }
0x75: {  	s26 =	sadd.s32 $0x8, s1;
	s0 =	ssub.s32 $0x38, s1;
	s1 =	sadd.s32 s29, s2  }
0x76: {  	[dreg:$0xb] =	wrdreg s10;
	s5 =	simm.s32 @p0 $0x0;
	s2 =	sadd.s32 $0xFFFE7A00, s1  }
0x77: {  	s1 =	ssub.s32 $0x18700, s1;
	p0 =	sgt.s32 s2, $0xFF;
	s2 =	sadd.s32 $0x1, s12  }
0x78: {  	s3 =	sadd.s32 $0x40, s10;
	s1 =	simm.s32 @p0 $0x0;
	p0 =	slt.s32 s2, $0x1A  }
0x79: {  	p1 =	sgt.s32 s26, $0x3F;
	s2 =	simm.s32 @!p0 $0x1A;
	p0 =	slt.s32 s3, $0x32  }
0x7a: {  	s0 =	simm.s32 @p1 $0x0;
	s2 =	ssub.s32 s2, s12;
	s3 =	simm.s32 @!p0 $0x32  }
0x7b: {  	s0 =	smul.u32 s5, s0;
	s25 =	ssub.s32 s3, s10;
	p0 =	slt.s32 s2, $0x1  }
0x7c: {  	[dreg:$0x10] =	wrdreg s15;
	p1 =	slt.s32 @!p0 s25, $0x1  }
0x7d: {  	[dreg:$0x16] =	wrdreg s29;
	s0 =	smul.u32 s1, s0;
	p1 =	por p0, p1  }
.Ltmp4:
0x7e: {  	s30 =	simm.s32 $0x1;
	[dreg:$0x14] =	wrdreg s5;
	(pc) =	sbr.rel @p1 .LBB1_16-.Ltmp4, $4  }
0x7f: {  	[dreg:$0x18] =	wrdreg s2;
	s1 =	sand.u32 $0x3FFFFFFF, s0;
	s0 =	sand.u32 $0x1, s15  }
0x80: {  	_ =	swait.ge [sflag:s30], s1;
	s31 =	smul.u32 $0x4100, s0  }
0x81: {  	s1 =	ssub.s32 $0x0, s1;
	[sflag:s30] =	ssyncset.done $0x0  }
0x82: {  	[sflag:s30] =	ssyncadd.s32 s1;
	[dreg:$0x17] =	wrdreg s31  }
0x83: {  	s2 =	rddreg [dreg:$0xa]  }
0x84: {  	s1 =	sadd.s32 $0x100, s2  }
0x85: {  	p1 =	slt.s32 s1, $0x186A1  }
0x86: {  	s28 =	sshll.u32 @!p0 s0, $0xE;
	s1 =	simm.s32 @!p1 $0x186A1  }
.Ltmp5:
0x87: {  	s0 =	rddreg [dreg:$0x17];
	s1 =	ssub.s32 s1, s2;
	(pc) =	sbr.rel .LBB1_6-.Ltmp5, $4  }
0x88: {  	s0 =	sor.u32 @!p0 $0x8000, s0;
	s1 =	sadd.s32 $0xF, s1  }
0x89: {  	s3 =	simm.s32 $0x0;
	[dreg:$0x19] =	wrdreg s0;
	s30 =	sshll.u32 s1, $0x3  }
0x8a: {  	s26 =	sand.u32 $0xFFFFFFF0, s1;
	s27 =	sand.u32 @!p0 $0xFFFFFF00, s1;
	s31 =	sand.u32 $0xFFFFF800, s30  }
0x8b: {  	p0 =	slt.s32 s1, $0x100;
	p1 =	sge.s32 s27, s26;
	[dreg:$0x1a] =	wrdreg s31  }
.LBB1_15:
0x8c: {  	s3 =	rddreg [dreg:$0x1b]  }
0x8d: {  	s0 =	rddreg [dreg:$0x18];
	s3 =	sadd.s32 $0x1, s3  }
0x8e: {  	p2 =	sne.s32 s3, s0  }
.Ltmp6:
0x8f: {  	_ = 	snop;
	(pc) =	sbr.rel @!p2 .LBB1_16-.Ltmp6, $1  }
0x90: {  	_ =	sdelay $0x3  }
.LBB1_6:
0x91: {  	s0 =	smul.u32 $0x10400, s3;
	s30 =	sshll.u32 s3, $0xE  }
.Ltmp7:
0x92: {  	v0 =	vmov s30;
	(pc) =	sbr.rel .LBB1_7-.Ltmp7, $4  }
0x93: {  	s2 =	sshll.u32 s3, $0x10  }
0x94: {  	s1 =	rddreg [dreg:$0x19];
	s31 =	sshra.s32 s2, $0x2;
	s0 =	sshra.s32 s0, $0x2  }
0x95: {  	[dreg:$0x1b] =	wrdreg s3;
	s1 =	sadd.s32 s0, s1;
	s0 =	sadd.s32 s31, s28  }
0x96: {  	s29 =	simm.s32 $0x0;
	s8 =	simm.s32 $0x0;
	[dreg:$0x1c] =	wrdreg s0  }
.LBB1_14:
0x97: {  	s8 =	sadd.s32 $0x1, s8  }
0x98: {  	p2 =	sne.s32 s8, s25  }
.Ltmp8:
0x99: {  	_ = 	snop;
	(pc) =	sbr.rel @!p2 .LBB1_15-.Ltmp8, $2  }
0x9a: {  	_ =	sdelay $0x2  }
0x9b: {  	s29 =	sadd.s32 $0x100, s29  }
.LBB1_7:
.Ltmp9:
0x9c: {  	(pc) =	sbr.rel @p0 .LBB1_11-.Ltmp9, $2  }
0x9d: {  	_ =	sdelay $0x2  }
0x9e: {  	s9 =	sshll.u32 s8, $0x7  }
0x9f: {  	s7 =	sshll.u32 s8, $0x3  }
0xa0: {  	s2 =	sshll.u32 s8, $0x8;
	s5 =	sand.u32 $0x300, s9;
	s14 =	sand.u32 $0x7F, s8  }
0xa1: {  	s10 =	sshrl.u32 s7, $0x7;
	s6 =	sadd.s32 $0x800, s7;
	s12 =	sadd.s32 $0x1000, s7  }
0xa2: {  	s13 =	sadd.s32 $0x1800, s7;
	s17 =	sadd.s32 $0x2000, s7;
	s20 =	sadd.s32 $0x2800, s7  }
0xa3: {  	s11 =	sand.u32 $0xF8, s10;
	s6 =	sshrl.u32 s6, $0x7;
	s12 =	sshrl.u32 s12, $0x7  }
0xa4: {  	s13 =	sshrl.u32 s13, $0x7;
	s3 =	smul.u32 $0x104, s11;
	s6 =	sand.u32 $0xF8, s6  }
0xa5: {  	s19 =	sshrl.u32 s17, $0x7;
	s12 =	sand.u32 $0xF8, s12;
	s6 =	smul.u32 $0x104, s6  }
0xa6: {  	s0 =	sadd.s32 $0x90, s10;
	s13 =	sand.u32 $0xF8, s13;
	s12 =	smul.u32 $0x104, s12  }
0xa7: {  	s11 =	sxor.u32 $0x80, s11;
	s13 =	smul.u32 $0x104, s13;
	s3 =	sshrl.u32 s3, $0x2  }
0xa8: {  	s11 =	smul.u32 $0x104, s11;
	s3 =	sadd.s32 s3, s1;
	s6 =	sshrl.u32 s6, $0x2  }
0xa9: {  	s12 =	sshrl.u32 s12, $0x2;
	s16 =	sshrl.u32 s13, $0x2;
	s13 =	sshrl.u32 s20, $0x7  }
0xaa: {  	s11 =	sshrl.u32 s11, $0x2;
	s3 =	sadd.s32 s14, s3;
	s6 =	sadd.s32 s6, s1  }
0xab: {  	s15 =	sadd.s32 s12, s1;
	s18 =	sadd.s32 s16, s1;
	s12 =	sand.u32 $0xF8, s19  }
0xac: {  	s13 =	sand.u32 $0xF8, s13;
	s11 =	sadd.s32 s11, s1;
	s19 =	sadd.s32 $0xC0, s10  }
0xad: {  	[dreg:$0x3] =	wrdreg s3;
	s3 =	sadd.s32 s14, s6;
	s12 =	smul.u32 $0x104, s12  }
0xae: {  	s13 =	smul.u32 $0x104, s13;
	[dreg:$0x4] =	wrdreg s3;
	s3 =	sadd.s32 s14, s15  }
0xaf: {  	s15 =	sadd.s32 $0x3000, s7;
	s7 =	sadd.s32 $0x3800, s7;
	[dreg:$0x5] =	wrdreg s3  }
0xb0: {  	s3 =	sadd.s32 s14, s18;
	s15 =	sshrl.u32 s15, $0x7;
	s7 =	sshrl.u32 s7, $0x7  }
0xb1: {  	s12 =	sshrl.u32 s12, $0x2;
	s13 =	sshrl.u32 s13, $0x2;
	s15 =	sand.u32 $0xF8, s15  }
0xb2: {  	s7 =	sand.u32 $0xF8, s7;
	s12 =	sadd.s32 s12, s1;
	s15 =	smul.u32 $0x104, s15  }
0xb3: {  	s21 =	sadd.s32 s13, s1;
	s13 =	sadd.s32 $0xA0, s10;
	s16 =	smul.u32 $0x104, s7  }
0xb4: {  	s7 =	sadd.s32 s14, s12;
	s23 =	sadd.s32 s14, s21;
	s12 =	sand.u32 $0xF8, s0  }
0xb5: {  	s22 =	sshrl.u32 s15, $0x2;
	s30 =	sshrl.u32 s16, $0x2;
	s16 =	sor.u32 $0x400, s2  }
0xb6: {  	s2 =	smul.u32 $0x104, s12;
	s12 =	sand.u32 $0xF8, s13;
	s15 =	sadd.s32 $0xB0, s10  }
0xb7: {  	s24 =	sadd.s32 s22, s1;
	s31 =	sadd.s32 s30, s1;
	s12 =	smul.u32 $0x104, s12  }
0xb8: {  	s22 =	sadd.s32 s14, s11;
	s17 =	sand.u32 $0xF8, s15;
	s30 =	sadd.s32 $0xE0, s10  }
0xb9: {  	s21 =	sadd.s32 s14, s24;
	s20 =	sadd.s32 s14, s31;
	s2 =	sshrl.u32 s2, $0x2  }
0xba: {  	s11 =	smul.u32 $0x104, s17;
	s24 =	sadd.s32 $0xD0, s10;
	s15 =	sand.u32 $0xF8, s30  }
0xbb: {  	s10 =	sadd.s32 $0xF0, s10;
	s2 =	sadd.s32 s2, s1;
	s12 =	sshrl.u32 s12, $0x2  }
0xbc: {  	s13 =	sand.u32 $0xF8, s24;
	s24 =	smul.u32 $0x104, s15;
	s10 =	sand.u32 $0xF8, s10  }
0xbd: {  	s17 =	sadd.s32 s14, s2;
	s18 =	sadd.s32 s12, s1;
	s13 =	smul.u32 $0x104, s13  }
0xbe: {  	s11 =	sshrl.u32 s11, $0x2;
	s12 =	sand.u32 $0xF8, s19;
	s10 =	smul.u32 $0x104, s10  }
0xbf: {  	s12 =	smul.u32 $0x104, s12;
	s11 =	sadd.s32 s11, s1;
	s18 =	sadd.s32 s14, s18  }
0xc0: {  	s0 =	sshrl.u32 s24, $0x2;
	s15 =	sadd.s32 s14, s11;
	s31 =	sshrl.u32 s13, $0x2  }
0xc1: {  	s10 =	sshrl.u32 s10, $0x2;
	s11 =	sadd.s32 s0, s1;
	s12 =	sshrl.u32 s12, $0x2  }
0xc2: {  	s2 =	sadd.s32 s31, s1;
	s10 =	sadd.s32 s10, s1;
	s12 =	sadd.s32 s12, s1  }
0xc3: {  	s13 =	sadd.s32 s14, s11;
	s11 =	sand.u32 $0x3800, s29;
	s19 =	sadd.s32 s14, s12  }
0xc4: {  	s12 =	sadd.s32 s14, s2;
	s14 =	sadd.s32 s14, s10;
	s10 =	sand.u32 $0x3C00, s16  }
0xc5: {  	s4 =	sand.u32 $0x380, s9;
	s30 =	sadd.s32 s11, s28;
	s2 =	sadd.s32 s10, s28  }
0xc6: {  	s6 =	sand.u32 $0x80, s9;
	s31 =	sadd.s32 s4, s30;
	s24 =	sadd.s32 s5, s2  }
0xc7: {  	v2 =	vld.idx.msk [tilespmem:v0+s31+$0x0 ss:$0x1], $0xffff;
	s10 =	sadd.s32 s6, s24;
	s24 =	sadd.s32 s5, s30  }
0xc8: {  	v1 =	vld.idx.msk [tilespmem:v0+s10+$0x70 ss:$0x1], $0xffff;
	s0 =	sadd.s32 s6, s24  }
0xc9: {  	v3 =	vld.idx.msk [tilespmem:v0+s0+$0x70 ss:$0x1], $0xffff  }
0xca: {  	v7 =	vld.idx.msk [tilespmem:v0+s0+$0x10 ss:$0x1], $0xffff  }
0xcb: {  	v8 =	vld.idx.msk [tilespmem:v0+s0+$0x20 ss:$0x1], $0xffff  }
0xcc: {  	s30 =	rddreg [dreg:$0x3];
	v9 =	vld.idx.msk [tilespmem:v0+s0+$0x30 ss:$0x1], $0xffff  }
0xcd: {  	p2 =	sgt.s32 s27, $0x100;
	s31 =	rddreg [dreg:$0x4];
	v5 =	vld.idx.msk [tilespmem:v0+s0+$0x40 ss:$0x1], $0xffff;
	[tilespmem:s30+$0x0 ss:$0x41] =	vst.msk $0xffff, v2  }
.Ltmp10:
0xce: {  	v6 =	vld.idx.msk [tilespmem:v0+s0+$0x50 ss:$0x1], $0xffff;
	[tilespmem:s14+$0x0 ss:$0x41] =	vst.msk $0xffff, v1;
	(pc) =	sbr.rel @!p2 .LBB1_10-.Ltmp10, $4  }
0xcf: {  	v4 =	vld.idx.msk [tilespmem:v0+s0+$0x60 ss:$0x1], $0xffff;
	s24 =	rddreg [dreg:$0x5];
	[tilespmem:s20+$0x0 ss:$0x41] =	vst.msk $0xffff, v3  }
0xd0: {  	v2 =	vld.idx.msk [tilespmem:v0+s10+$0x10 ss:$0x1], $0xffff;
	[tilespmem:s31+$0x0 ss:$0x41] =	vst.msk $0xffff, v7  }
0xd1: {  	s16 =	sadd.s32 $0x800, s16;
	v1 =	vld.idx.msk [tilespmem:v0+s10+$0x20 ss:$0x1], $0xffff;
	[tilespmem:s3+$0x0 ss:$0x41] =	vst.msk $0xffff, v9  }
0xd2: {  	s11 =	sadd.s32 s4, s2;
	s2 =	smov.u32 s29;
	v3 =	vld.idx.msk [tilespmem:v0+s10+$0x30 ss:$0x1], $0xffff;
	[tilespmem:s24+$0x0 ss:$0x41] =	vst.msk $0xffff, v8;
	s24 =	simm.s32 $0x100  }
.LBB1_9:
0xd3: {  	s31 =	sand.u32 $0x3C00, s16;
	v7 =	vld.idx.msk [tilespmem:v0+s11+$0x0 ss:$0x1], $0xffff;
	[tilespmem:s7+$0x0 ss:$0x41] =	vst.msk $0xffff, v5  }
0xd4: {  	s2 =	sadd.s32 $0x800, s2;
	s31 =	sadd.s32 s31, s28;
	v5 =	vld.idx.msk [tilespmem:v0+s10+$0x40 ss:$0x1], $0xffff;
	[tilespmem:s23+$0x0 ss:$0x41] =	vst.msk $0xffff, v6  }
0xd5: {  	s30 =	sand.u32 $0x3800, s2;
	s0 =	sadd.s32 s5, s31;
	v6 =	vld.idx.msk [tilespmem:v0+s10+$0x50 ss:$0x1], $0xffff;
	[tilespmem:s21+$0x0 ss:$0x41] =	vst.msk $0xffff, v4  }
0xd6: {  	s30 =	sadd.s32 s30, s28;
	v4 =	vld.idx.msk [tilespmem:v0+s10+$0x60 ss:$0x1], $0xffff;
	s10 =	sadd.s32 s6, s0;
	[tilespmem:s17+$0x0 ss:$0x41] =	vst.msk $0xffff, v2  }
0xd7: {  	s0 =	sadd.s32 s4, s30;
	s30 =	sadd.s32 s5, s30;
	[tilespmem:s18+$0x0 ss:$0x41] =	vst.msk $0xffff, v1;
	v2 =	vld.idx.msk [tilespmem:v0+s10+$0x70 ss:$0x1], $0xffff  }
0xd8: {  	[tilespmem:s15+$0x0 ss:$0x41] =	vst.msk $0xffff, v3;
	v1 =	vld.idx.msk [tilespmem:v0+s0+$0x0 ss:$0x1], $0xffff;
	s0 =	sadd.s32 s6, s30  }
0xd9: {  	[tilespmem:s22+$0x0 ss:$0x41] =	vst.msk $0xffff, v7;
	v3 =	vld.idx.msk [tilespmem:v0+s0+$0x70 ss:$0x1], $0xffff  }
0xda: {  	v8 =	vld.idx.msk [tilespmem:v0+s0+$0x10 ss:$0x1], $0xffff;
	[tilespmem:s19+$0x0 ss:$0x41] =	vst.msk $0xffff, v5  }
0xdb: {  	v9 =	vld.idx.msk [tilespmem:v0+s0+$0x20 ss:$0x1], $0xffff;
	[tilespmem:s12+$0x0 ss:$0x41] =	vst.msk $0xffff, v6  }
0xdc: {  	s24 =	sadd.s32 $0x100, s24;
	v10 =	vld.idx.msk [tilespmem:v0+s0+$0x30 ss:$0x1], $0xffff;
	[tilespmem:s13+$0x0 ss:$0x41] =	vst.msk $0xffff, v4  }
0xdd: {  	p2 =	slt.s32 s24, s27;
	s30 =	rddreg [dreg:$0x3];
	v5 =	vld.idx.msk [tilespmem:v0+s0+$0x40 ss:$0x1], $0xffff;
	[tilespmem:s14+$0x0 ss:$0x41] =	vst.msk $0xffff, v2  }
.Ltmp11:
0xde: {  	v6 =	vld.idx.msk [tilespmem:v0+s0+$0x50 ss:$0x1], $0xffff;
	[tilespmem:s30+$0x0 ss:$0x41] =	vst.msk $0xffff, v1;
	(pc) =	sbr.rel @p2 .LBB1_9-.Ltmp11, $4  }
0xdf: {  	s11 =	sadd.s32 s4, s31;
	s31 =	rddreg [dreg:$0x4];
	v4 =	vld.idx.msk [tilespmem:v0+s0+$0x60 ss:$0x1], $0xffff;
	[tilespmem:s20+$0x0 ss:$0x41] =	vst.msk $0xffff, v3  }
0xe0: {  	s30 =	rddreg [dreg:$0x5];
	v2 =	vld.idx.msk [tilespmem:v0+s10+$0x10 ss:$0x1], $0xffff;
	[tilespmem:s31+$0x0 ss:$0x41] =	vst.msk $0xffff, v8  }
0xe1: {  	v1 =	vld.idx.msk [tilespmem:v0+s10+$0x20 ss:$0x1], $0xffff;
	[tilespmem:s30+$0x0 ss:$0x41] =	vst.msk $0xffff, v9  }
0xe2: {  	s16 =	sadd.s32 $0x800, s16;
	[tilespmem:s3+$0x0 ss:$0x41] =	vst.msk $0xffff, v10;
	v3 =	vld.idx.msk [tilespmem:v0+s10+$0x30 ss:$0x1], $0xffff  }
.LBB1_10:
0xe3: {  	_ =	sdelay $0x2  }
0xe4: {  	[tilespmem:s7+$0x0 ss:$0x41] =	vst.msk $0xffff, v5  }
0xe5: {  	v61 =	vld.idx.msk [tilespmem:v0+s10+$0x40 ss:$0x1], $0xffff;
	[tilespmem:s23+$0x0 ss:$0x41] =	vst.msk $0xffff, v6  }
0xe6: {  	v62 =	vld.idx.msk [tilespmem:v0+s10+$0x50 ss:$0x1], $0xffff;
	[tilespmem:s21+$0x0 ss:$0x41] =	vst.msk $0xffff, v4  }
0xe7: {  	v63 =	vld.idx.msk [tilespmem:v0+s10+$0x60 ss:$0x1], $0xffff;
	[tilespmem:s17+$0x0 ss:$0x41] =	vst.msk $0xffff, v2  }
0xe8: {  	v2 =	vld.idx.msk [tilespmem:v0+s11+$0x0 ss:$0x1], $0xffff;
	[tilespmem:s18+$0x0 ss:$0x41] =	vst.msk $0xffff, v1  }
0xe9: {  	[tilespmem:s15+$0x0 ss:$0x41] =	vst.msk $0xffff, v3  }
0xea: {  	[tilespmem:s19+$0x0 ss:$0x41] =	vst.msk $0xffff, v61  }
0xeb: {  	[tilespmem:s12+$0x0 ss:$0x41] =	vst.msk $0xffff, v62  }
0xec: {  	[tilespmem:s13+$0x0 ss:$0x41] =	vst.msk $0xffff, v63  }
0xed: {  	[tilespmem:s22+$0x0 ss:$0x41] =	vst.msk $0xffff, v2  }
.LBB1_11:
.Ltmp12:
0xee: {  	(pc) =	sbr.rel @p1 .LBB1_14-.Ltmp12, $1  }
0xef: {  	_ =	sdelay $0x3  }
0xf0: {  	s2 =	sshrl.u32 s8, $0x4;
	s3 =	sand.u32 $0x3800, s29;
	s0 =	rddreg [dreg:$0x1c]  }
0xf1: {  	s4 =	sand.u32 $0x300, s9;
	s5 =	sand.u32 $0x80, s9;
	s31 =	rddreg [dreg:$0x1a]  }
0xf2: {  	s6 =	sand.u32 $0x7F, s8;
	s4 =	sadd.s32 s4, s0;
	s3 =	sadd.s32 s3, s31  }
0xf3: {  	s4 =	sadd.s32 s5, s4;
	s5 =	sadd.s32 s6, s1;
	s6 =	smov.u32 s27  }
.LBB1_13:
0xf4: {  	s0 =	sand.u32 $0x3C00, s3  }
0xf5: {  	s7 =	sand.u32 $0x70, s6;
	s30 =	sadd.s32 s6, s2;
	s0 =	sadd.s32 s0, s4  }
0xf6: {  	s6 =	sadd.s32 $0x10, s6;
	s31 =	sand.u32 $0xF8, s30;
	s0 =	sadd.s32 s7, s0  }
0xf7: {  	p2 =	slt.s32 s6, s26;
	v1 =	vld [tilespmem:s0+$0x0];
	s0 =	smul.u32 $0x104, s31  }
.Ltmp13:
0xf8: {  	_ = 	snop;
	(pc) =	sbr.rel @p2 .LBB1_13-.Ltmp13, $4  }
0xf9: {  	_ = 	snop  }
0xfa: {  	s0 =	sshrl.u32 s0, $0x2  }
0xfb: {  	s0 =	sadd.s32 s0, s5  }
0xfc: {  	s3 =	sadd.s32 $0x80, s3;
	[tilespmem:s0+$0x0 ss:$0x41] =	vst.msk $0xffff, v1  }
.Ltmp14:
0xfd: {  	_ = 	snop;
	(pc) =	sbr.rel .LBB1_14-.Ltmp14, $1  }
0xfe: {  	_ =	sdelay $0x3  }
.LBB1_18:
0xff: {  	_ =	sfence.sel $0x180000  }
0x100: {  	s0 =	simm.s32 $0x1;
	[bflag:$0x0] =	sbarrier.arrive $0xFFFF  }
0x101: {  	s30 =	simm.s32 $0x2;
	[sflag:s0] =	ssyncpa.u1 $0x1  }
0x102: {  	[sflag:s30] =	ssyncpa.u1 $0x1  }
0x103: {  	_ =	strace $0x90000047  }
0x104: {  	s31 =	stileid.u32;
	[bflag:$0x2] =	sbarrier.arrive $0xFFFF  }
0x105: {  	p0 =	sne.s32 s31, $0x0;
	s0 =	rddreg [dreg:$0x2]  }
0x106: {  	s0 =	sadd.s32 @!p0 $0x100000, s0  }
0x107: {  	[sflag:s0] =	ssyncadd.tile.s32 @!p0 $0x1;
	_ =	shalt  }
.Lfunc_end1:
_tile_overlayer_lowered:
.L_overlay_start_2:
0x108: {  	(tag) =	ssettag $0x2  }
0x109: {  	s0 =	rddreg [dreg:$0x0];
	s2 =	stileid.u32  }
0x10a: {  	s1 =	rddreg [dreg:$0x1];
	p0 =	sne.s32 s2, $0x0  }
0x10b: {  	s3 =	rddreg [dreg:$0x2];
	[bflag:$0x3] =	sbarrier.arrive $0xFFFF;
	s2 =	simm.s32 @!p0 $0x1C01  }
0x10c: {  	[timem:s3], [sflag:s2] =	dma.local @!p0 [hbm:s0], s1  }
0x10d: {  	s0 =	simm.s32 @!p0 $0x1  }
0x10e: {  	_ =	swait.ge @!p0 [sflag:s0], s1  }
0x10f: {  	s1 =	ssub.s32 @!p0 $0x0, s1;
	[sflag:s0] =	ssyncset.done @!p0 $0x0  }
0x110: {  	[sflag:s0] =	ssyncadd.s32 @!p0 s1  }
0x111: {  	[bflag:$0x3] =	sbarrier.arrive $0xFFFF  }
0x112: {  	_ =	shalt  }

// kernel: sparse-core-data-format-call.cloned.1.call-start
scs
called_computation_lowered:
.L_overlay_start_0:
0x0: {  	s2 =	sld [smem:$0x3FD9]  }
0x1: {  	s3 =	sld [smem:$0x3FFE];
	_ =	sdelay $0x1  }
0x2: {  	s1 =	srdreg.scid  }
0x3: {  	s0 =	sand.u32 $0x1, s1  }
0x4: {  	s18 =	sshll.u32 s0, $0xA;
	s2 =	sadd.s32 s3, s2  }
0x5: {  	s2 =	sadd.s32 s2, s18  }
0x6: {  	[smem:$0x3FC6] =	sst s2  }
0x7: {  	_ = 	snop  }
0x8: {  	s2 =	sld [smem:$0x3FD0];
	(tm) =	ssettm $0x1  }
0x9: {  	s19 =	sld [smem:$0x3FFB];
	_ =	sdelay $0x3  }
0xa: {  	_ =	strace s19  }
0xb: {  	s3 =	sld [smem:$0x3FFC];
	_ =	sdelay $0x3  }
0xc: {  	_ =	strace s3  }
0xd: {  	s3 =	sld [smem:$0x3FFD];
	_ =	sdelay $0x3  }
0xe: {  	_ =	strace s3  }
0xf: {  	_ =	strace $0x8FFFFFFF  }
0x10: {  	s20 =	sld [smem:$0x3FDB];
	_ =	sdelay $0x1  }
0x11: {  	s4 =	simm.s32 $_scs_section_size  }
0x12: {  	s5 =	simm.s32 $_size__tile_overlayer_lowered;
	s6 =	simm.s32 $_tile_overlayer_lowered  }
0x13: {  	s23 =	simm.s32 $0x1BFF;
	s22 =	sshll.u32 s6, $0x1;
	s3 =	sadd.s32 s4, s20  }
0x14: {  	s7 =	simm.s32 $0x0;
	s21 =	sshll.u32 s5, $0x1;
	s5 =	sadd.s32 s22, s3  }
0x15: {  	[timem:s7], [sflag:s23] =	dma.local [hbm:s5], s21  }
0x16: {  	_ =	swait.ge [sflag:s23], s21  }
0x17: {  	s4 =	ssub.s32 $0x0, s21;
	[sflag:s23] =	ssyncset.done $0x0  }
0x18: {  	[sflag:s23] =	ssyncadd.s32 s4;
	_ =	sdelay $0x1  }
0x19: {  	s24 =	simm.s32 $0x1B8B  }
0x1a: {  	_ =	swait.ge [sflag:s24], $0x1  }
0x1b: {  	[sflag:s24] =	ssyncset.done $0x0  }
0x1c: {  	s26 =	simm.s32 $0x1B8E;
	s25 =	sld [smem:$0x3FFE];
	[sflag:s24] =	ssyncadd.s32 $0xFFFFFFFF  }
0x1d: {  	s27 =	simm.s32 $execute0_lowered;
	[smem:$0x3FD2] =	sst s26  }
0x1e: {  	s5 =	sshll.u32 s27, $0x1;
	_ =	strace $0x8000004C;
	[dreg:$0x1] =	wrdreg $0xFFFFFFFF  }
0x1f: {  	s28 =	simm.s32 $_size_execute0_lowered;
	s3 =	sadd.s32 s3, s5;
	[dreg:$0x0] =	wrdreg $0x0  }
0x20: {  	s5 =	sshll.u32 s28, $0x1;
	[dreg:$0x2] =	wrdreg s3  }
0x21: {  	[dreg:$0x3] =	wrdreg s5  }
0x22: {  	[dreg:$0x4] =	wrdreg $0xC0  }
0x23: {  	_ =	task [dreg:s7], $0x5FFFF  }
0x24: {  	[dreg:$0x1] =	wrdreg $0xFFFFFFFF  }
0x25: {  	[dreg:$0x0] =	wrdreg $0x60  }
0x26: {  	[dreg:$0x2] =	wrdreg s25  }
0x27: {  	[dreg:$0x3] =	wrdreg s2  }
0x28: {  	[dreg:$0x4] =	wrdreg $0x9  }
0x29: {  	_ =	task.clear_ibuf [dreg:s7], $0x5FFFF;
	_ =	strace $0x9000004C  }
0x2a: {  	s29 =	simm.s32 $0x9;
	_ =	strace $0x8000004E  }
0x2b: {  	_ =	swait.ge [sflag:s29], $0x1  }
0x2c: {  	[sflag:s29] =	ssyncadd.s32 $0xFFFFFFFF  }
0x2d: {  	_ =	strace $0x9000004E  }
0x2e: {  	_ =	sfence  }
0x2f: {  	s30 =	sld [smem:$0x0];
	_ =	sdelay $0x2  }
0x30: {  	s31 =	sshll.u32 s1, $0xD;
	s1 =	sshrl.u32 s1, $0x2  }
0x31: {  	s3 =	sand.u32 $0x4000, s31;
	s1 =	sadd.s32 s1, s30  }
0x32: {  	s0 =	sor.u32 s3, s0;
	s1 =	sshll.u32 s1, $0x11  }
0x33: {  	s0 =	sor.u32 s1, s0  }
0x34: {  	s0 =	sadd.s32 $0x8F2B, s0  }
0x35: {  	[sflag:s0] =	ssyncadd.remote.s32 $0x1  }
0x36: {  	_ =	sfence.sel $0xFFFF  }
0x37: {  	[dreg:$0x0] =	wrdreg $0xFFFFFFFF;
	(pc) =	sbr.abs _section_cstart, $3  }
0x38: {  	[dreg:$0x1] =	wrdreg $0xFFFFFFFF  }
0x39: {  	_ =	task.clear_ibuf [dreg:s7], $0x2FFFF;
	_ =	strace $0x9FFFFFFF  }
0x3a: {  	(tm) =	ssettm $0x7FFFFFFF  }
0x3b: {  	_ =	shalt  }
tec
execute0_lowered:
.L_overlay_start_1:
0x0: {  	(tag) =	ssettag $0x1  }
0x1: {  	s0 =	srdreg.scid  }
0x2: {  	s1 =	sshll.u32 s0, $0x4  }
0x3: {  	s6 =	rddreg [dreg:$0x0];
	s0 =	stileid.u32;
	s1 =	sand.u32 $0x10, s1  }
0x4: {  	s3 =	rddreg [dreg:$0x1];
	s1 =	sor.u32 s0, s1  }
0x5: {  	s5 =	simm.s32 $0x1;
	s31 =	simm.s32 $0x2;
	s2 =	sshll.u32 s1, $0x7  }
0x6: {  	s15 =	simm.s32 $0x0;
	s8 =	simm.s32 $0x20000;
	s4 =	ssub.s32 $0x4000, s2  }
0x7: {  	s14 =	simm.s32 $0x0;
	s9 =	simm.s32 $0x0;
	s30 =	sand.u32 $0xF80, s4  }
0x8: {  	s10 =	simm.s32 $0x0;
	s11 =	simm.s32 $0x0;
	p0 =	sne.s32 s30, $0x0  }
.Ltmp0:
0x9: {  	s7 =	sshrl.u32 s4, $0xC;
	s5 =	simm.s32 @!p0 $0x0;
	(pc) =	sbr.rel .LBB1_1-.Ltmp0, $4  }
0xa: {  	s13 =	simm.s32 $0x0;
	s1 =	rddreg [dreg:$0x2];
	s5 =	sadd.s32 s5, s7  }
0xb: {  	_ =	strace $0x8000004D;
	s4 =	simm.s32 $0x1;
	s5 =	smul.u32 $0xB, s5  }
0xc: {  	s6 =	sadd.s32 $0xE00, s6;
	s12 =	smov.u32 s2;
	[sflag:s4] =	ssyncpa.u1 $0x0  }
0xd: {  	[sflag:s31] =	ssyncpa.u1 $0x0;
	p0 =	por $0x0, $0x0;
	s7 =	sadd.s32 $0x1, s5  }
.LBB1_4:
0xe: {  	s20 =	sshra.s32 s20, $0x2  }
0xf: {  	s28 =	sand.u32 $0x78, s10;
	s21 =	sshll.u32 s9, $0xE;
	s22 =	sshll.u32 s10, $0x3  }
0x10: {  	s24 =	sshll.u32 s9, $0x7;
	p1 =	sgt.s32 s9, $0x498;
	s30 =	sshra.s32 s9, $0x1F  }
0x11: {  	s26 =	sshra.s32 s10, $0x1F;
	s19 =	sadd.s32 s20, s19;
	s21 =	sand.u32 $0xFFFE0000, s21  }
0x12: {  	v5 =	vld [tilespmem:s17+$0xFFFFFFD0];
	[tilespmem:s18+$0x2040 ss:$0x81] =	vst.msk $0xffff, v4;
	s23 =	sand.u32 $0xFFFFFC00, s22;
	s29 =	sand.u32 $0x380, s24;
	s22 =	sand.u32 $0x3C00, s22  }
0x13: {  	v58 =	vld [tilespmem:s17+$0xFFFFFFE0];
	[tilespmem:s18+$0x2850 ss:$0x81] =	vst.msk $0xffff, v3;
	s21 =	sadd.s32 s23, s21;
	s20 =	sor.u32 s28, s22;
	s22 =	smov.u32 s9  }
0x14: {  	v59 =	vld [tilespmem:s17+$0xFFFFFFF0];
	[tilespmem:s18+$0x3060 ss:$0x81] =	vst.msk $0xffff, v2;
	s24 =	sand.u32 s30, s9;
	s21 =	sshrl.u32 s21, $0xE;
	s22 =	simm.s32 @!p1 $0x498  }
0x15: {  	v60 =	vld [tilespmem:s17+$0x0];
	[tilespmem:s18+$0x0 ss:$0x81] =	vst.msk $0xffff, v1;
	p1 =	sgt.s32 s10, $0x3F80;
	s31 =	ssub.s32 s22, s24;
	s22 =	smov.u32 s10  }
0x16: {  	v61 =	vld [tilespmem:s17+$0x10];
	[tilespmem:s19+$0x3870 ss:$0x81] =	vst.msk $0xffff, v0;
	s25 =	smulhi.u32 $0x3241F7, s21;
	s24 =	sand.u32 s26, s10;
	s22 =	simm.s32 @!p1 $0x3F80  }
0x17: {  	v62 =	vld [tilespmem:s17+$0x20];
	s20 =	sor.u32 s29, s20;
	[tilespmem:s19+$0x810 ss:$0x81] =	vst.msk $0xffff, v5;
	s27 =	sadd.s32 $0xFFFFFB68, s31;
	s22 =	ssub.s32 s22, s24  }
0x18: {  	v63 =	vld [tilespmem:s17+$0xFFFFFFC0];
	[tilespmem:s19+$0x1020 ss:$0x81] =	vst.msk $0xffff, v58;
	s18 =	ssub.s32 $0x518, s31;
	s28 =	smul.u32 $0x518, s25;
	s29 =	sadd.s32 $0xFFFFC080, s22  }
0x19: {  	[tilespmem:s19+$0x1830 ss:$0x81] =	vst.msk $0xffff, v59;
	p1 =	sgt.s32 s27, $0x7F;
	s22 =	ssub.s32 $0x4000, s22;
	p2 =	sgt.s32 s29, $0x7F  }
0x1a: {  	s30 =	sand.u32 $0x7, s10;
	[tilespmem:s19+$0x2040 ss:$0x81] =	vst.msk $0xffff, v60;
	s18 =	simm.s32 @p1 $0x0;
	s22 =	simm.s32 @p2 $0x0  }
0x1b: {  	s20 =	sshrl.u32 s20, $0x3;
	[tilespmem:s19+$0x2850 ss:$0x81] =	vst.msk $0xffff, v61;
	s17 =	ssub.s32 s21, s28;
	s18 =	smul.u32 s22, s18  }
0x1c: {  	[tilespmem:s19+$0x3060 ss:$0x81] =	vst.msk $0xffff, v62;
	s20 =	sadd.s32 s3, s20;
	s21 =	sshll.u32 s30, $0x12;
	s17 =	sshll.u32 s17, $0xB  }
0x1d: {  	[tilespmem:s19+$0x0 ss:$0x81] =	vst.msk $0xffff, v63;
	s31 =	sor.u32 $0x400, s21;
	s17 =	sadd.s32 s17, s20;
	s18 =	sand.u32 $0x3FFFFFFF, s18  }
0x1e: {  	[hbm4b:s17+s31] =	stream.strided.scatter [tilespmem:s16], [sflag:$0x2], s18, s8, s31, $0x20;
	[tilespmem:$0x10100] =	vst v63  }
.LBB1_5:
0x1f: {  	p1 =	slt.u32 s13, $0x2  }
0x20: {  	s17 =	smov.u32 s15;
	p2 =	sgt.s32 @!p1 s15, $0x498;
	s16 =	sshra.s32 @!p1 s15, $0x1F  }
0x21: {  	p3 =	sgt.s32 @!p1 s14, $0x3F80;
	s18 =	sshra.s32 @!p1 s14, $0x1F;
	p2 =	por !p2, p1  }
0x22: {  	s15 =	sand.u32 @!p1 s16, s15;
	p3 =	por !p3, p1;
	s16 =	smov.u32 s14  }
0x23: {  	s14 =	sand.u32 @!p1 s18, s14;
	s17 =	simm.s32 @p2 $0x498;
	s16 =	simm.s32 @p3 $0x3F80  }
0x24: {  	s15 =	ssub.s32 @!p1 s17, s15;
	s14 =	ssub.s32 @!p1 s16, s14  }
0x25: {  	s18 =	smov.u32 s12;
	s16 =	sadd.s32 @!p1 $0xFFFFFB68, s15;
	s17 =	sadd.s32 @!p1 $0xFFFFC080, s14  }
0x26: {  	s15 =	ssub.s32 @!p1 $0x518, s15;
	p2 =	sgt.s32 @!p1 s16, $0x7F;
	p3 =	sgt.s32 @!p1 s17, $0x7F  }
0x27: {  	s14 =	ssub.s32 @!p1 $0x4000, s14;
	p2 =	por !p2, p1;
	p3 =	por !p3, p1  }
0x28: {  	s16 =	sadd.s32 $0x80, s11;
	s15 =	simm.s32 @!p2 $0x0;
	s14 =	simm.s32 @!p3 $0x0  }
0x29: {  	p2 =	sgt.s32 s16, $0x513;
	s14 =	smul.u32 @!p1 s14, s15;
	s15 =	sadd.s32 $0x1000, s12  }
0x2a: {  	s18 =	smov.u32 @p2 s15  }
0x2b: {  	s16 =	simm.s32 @p2 $0x0;
	p2 =	sgt.s32 s18, $0x3FFF  }
0x2c: {  	s18 =	smov.u32 @p2 s2;
	p2 =	sne.s32 s13, s7  }
.Ltmp1:
0x2d: {  	p0 =	por !p0, !p0;
	s17 =	simm.s32 @!p1 $0x2;
	(pc) =	sbr.rel @!p2 .LBB1_6-.Ltmp1, $4  }
0x2e: {  	s15 =	smov.u32 s9;
	s9 =	smov.u32 s11;
	s14 =	sand.u32 @!p1 $0x3FFFFFFF, s14  }
0x2f: {  	s11 =	smov.u32 s16;
	_ =	swait.ge @!p1 [sflag:s17], s14;
	s19 =	ssub.s32 @!p1 $0x0, s14  }
0x30: {  	s14 =	smov.u32 s10;
	s13 =	sadd.s32 $0x1, s13;
	[sflag:s17] =	ssyncset.done @!p1 $0x0  }
0x31: {  	s10 =	smov.u32 s12;
	s12 =	smov.u32 s18;
	[sflag:s17] =	ssyncadd.s32 @!p1 s19  }
.LBB1_1:
0x32: {  	p1 =	sge.u32 s13, s5  }
0x33: {  	s16 =	sshrl.u32 @!p1 s12, $0x3  }
0x34: {  	s17 =	sshll.u32 @!p1 s11, $0x3;
	s16 =	smul.u32 @!p1 $0x2C00, s16  }
0x35: {  	s18 =	sshll.u32 @!p1 s12, $0x7;
	s17 =	sand.u32 @!p1 $0xFFFFFC00, s17  }
0x36: {  	s16 =	sadd.s32 @!p1 s16, s17;
	s17 =	sand.u32 @!p1 $0x380, s18  }
0x37: {  	s18 =	sand.u32 @!p1 $0x7F, s11;
	s16 =	sor.u32 @!p1 s17, s16  }
0x38: {  	s17 =	sor.u32 @!p1 s18, s16  }
0x39: {  	s18 =	smulhi.u32 @!p1 $0xBA2E8BA3, s17;
	_ =	sdelay $0x1  }
0x3a: {  	s16 =	smulhi.u32 @!p1 $0xBA2E8BA3, s16;
	s18 =	sshrl.u32 @!p1 s18, $0xA  }
0x3b: {  	s18 =	smul.u32 @!p1 $0x580, s18  }
0x3c: {  	s31 =	sadd.s32 $0xFFFFFFFF, s13;
	s19 =	sxor.u32 @!p1 $0xFFFFFFFF, s13;
	s16 =	sshrl.u32 @!p1 s16, $0xA  }
0x3d: {  	s19 =	sshll.u32 @!p1 s19, $0xE;
	s16 =	sand.u32 @!p1 $0x3FFF, s16;
	s17 =	ssub.s32 @!p1 s17, s18  }
0x3e: {  	s16 =	smul.u32 @!p1 $0xB0, s16;
	s18 =	sshrl.u32 @!p1 s17, $0x3;
	s17 =	sand.u32 @!p1 $0x7, s17  }
0x3f: {  	s19 =	sand.u32 @!p1 $0x4000, s19;
	s18 =	sadd.s32 @!p1 s6, s18;
	s17 =	sshll.u32 @!p1 s17, $0x12  }
0x40: {  	s16 =	sadd.s32 @!p1 s16, s18;
	s17 =	sor.u32 @!p1 $0x400, s17;
	s18 =	simm.s32 @!p1 $0x2C00  }
0x41: {  	[tilespmem:s19], [sflag:$0x1] =	stream.strided.gather @!p1 [hbm4b:s16+s17], $0x4000, s18, s17, $0x38;
	[tilespmem:$0x10100] =	vst v63  }
0x42: {  	p1 =	sge.u32 s31, s5  }
.Ltmp2:
0x43: {  	_ = 	snop;
	(pc) =	sbr.rel @p1 .LBB1_5-.Ltmp2, $1  }
0x44: {  	_ =	sdelay $0x3  }
0x45: {  	s16 =	simm.s32 $0x1  }
0x46: {  	_ =	swait.ge [sflag:s4], $0x4000;
	s16 =	simm.s32 @!p0 $0x0  }
0x47: {  	[sflag:s4] =	ssyncset.done $0x0;
	s17 =	sshll.u32 s16, $0xE  }
0x48: {  	[sflag:s4] =	ssyncadd.s32 $0xFFFFC000;
	s17 =	sor.u32 $0x40, s17  }
0x49: {  	s16 =	smul.u32 $0x10200, s16;
	v0 =	vld [tilespmem:s17+$0x30]  }
0x4a: {  	v1 =	vld [tilespmem:s17+$0xFFFFFFD0]  }
0x4b: {  	s16 =	sshrl.u32 s16, $0x2;
	v5 =	vld [tilespmem:s17+$0xFFFFFFE0]  }
0x4c: {  	v6 =	vld [tilespmem:s17+$0xFFFFFFF0];
	s19 =	sor.u32 $0x8000, s16  }
0x4d: {  	s31 =	sand.u32 $0x1, s13;
	v4 =	vld [tilespmem:s17+$0x0];
	s18 =	sadd.s32 $0x0, s19  }
0x4e: {  	v3 =	vld [tilespmem:s17+$0x10];
	s16 =	smul.u32 $0x10200, s31;
	[tilespmem:s18+$0x3870 ss:$0x81] =	vst.msk $0xffff, v0  }
0x4f: {  	v2 =	vld [tilespmem:s17+$0x20];
	[tilespmem:s18+$0x810 ss:$0x81] =	vst.msk $0xffff, v1  }
0x50: {  	s16 =	sshrl.u32 s16, $0x2;
	v1 =	vld [tilespmem:s17+$0xFFFFFFC0];
	[tilespmem:s18+$0x1020 ss:$0x81] =	vst.msk $0xffff, v5;
	s17 =	sadd.s32 $0x80, s17  }
0x51: {  	s20 =	simm.s32 $0x4;
	s21 =	simm.s32 $0x8;
	s16 =	sor.u32 $0x8000, s16;
	[tilespmem:s18+$0x1830 ss:$0x81] =	vst.msk $0xffff, v6;
	v0 =	vld [tilespmem:s17+$0x30]  }
.LBB1_3:
0x52: {  	p1 =	sne.s32 s21, $0x1FC;
	v5 =	vld [tilespmem:s17+$0xFFFFFFD0];
	[tilespmem:s18+$0x2040 ss:$0x81] =	vst.msk $0xffff, v4  }
0x53: {  	v6 =	vld [tilespmem:s17+$0xFFFFFFE0];
	[tilespmem:s18+$0x2850 ss:$0x81] =	vst.msk $0xffff, v3  }
0x54: {  	s22 =	sshra.s32 s20, $0x2;
	s20 =	smov.u32 s21;
	v7 =	vld [tilespmem:s17+$0xFFFFFFF0];
	[tilespmem:s18+$0x3060 ss:$0x81] =	vst.msk $0xffff, v2  }
.Ltmp3:
0x55: {  	v4 =	vld [tilespmem:s17+$0x0];
	[tilespmem:s18+$0x0 ss:$0x81] =	vst.msk $0xffff, v1;
	s18 =	sadd.s32 s22, s19;
	(pc) =	sbr.rel @p1 .LBB1_3-.Ltmp3, $4  }
0x56: {  	v3 =	vld [tilespmem:s17+$0x10];
	[tilespmem:s18+$0x3870 ss:$0x81] =	vst.msk $0xffff, v0  }
0x57: {  	[tilespmem:s18+$0x810 ss:$0x81] =	vst.msk $0xffff, v5;
	v2 =	vld [tilespmem:s17+$0x20]  }
0x58: {  	v1 =	vld [tilespmem:s17+$0xFFFFFFC0];
	[tilespmem:s18+$0x1020 ss:$0x81] =	vst.msk $0xffff, v6;
	s17 =	sadd.s32 $0x80, s17  }
0x59: {  	s21 =	sadd.s32 $0x4, s21;
	v0 =	vld [tilespmem:s17+$0x30];
	[tilespmem:s18+$0x1830 ss:$0x81] =	vst.msk $0xffff, v7  }
.Ltmp4:
0x5a: {  	_ = 	snop;
	(pc) =	sbr.rel .LBB1_4-.Ltmp4, $1  }
0x5b: {  	_ =	sdelay $0x3  }
.LBB1_6:
0x5c: {  	_ =	sfence.sel $0x180000  }
0x5d: {  	s2 =	simm.s32 $0x1;
	[bflag:$0x0] =	sbarrier.arrive $0xFFFF  }
0x5e: {  	s31 =	simm.s32 $0x2;
	[sflag:s2] =	ssyncpa.u1 $0x1  }
0x5f: {  	[sflag:s31] =	ssyncpa.u1 $0x1  }
0x60: {  	p0 =	sne.s32 s0, $0x0;
	_ =	strace $0x9000004D  }
0x61: {  	s0 =	sadd.s32 @!p0 $0x100000, s1;
	[bflag:$0x2] =	sbarrier.arrive $0xFFFF  }
0x62: {  	[sflag:s0] =	ssyncadd.tile.s32 @!p0 $0x1;
	_ =	shalt  }
.Lfunc_end1:
_tile_overlayer_lowered:
.L_overlay_start_2:
0x63: {  	(tag) =	ssettag $0x2  }
0x64: {  	s0 =	rddreg [dreg:$0x0];
	s2 =	stileid.u32  }
0x65: {  	s1 =	rddreg [dreg:$0x1];
	p0 =	sne.s32 s2, $0x0  }
0x66: {  	s3 =	rddreg [dreg:$0x2];
	[bflag:$0x3] =	sbarrier.arrive $0xFFFF;
	s2 =	simm.s32 @!p0 $0x1C01  }
0x67: {  	[timem:s3], [sflag:s2] =	dma.local @!p0 [hbm:s0], s1  }
0x68: {  	s0 =	simm.s32 @!p0 $0x1  }
0x69: {  	_ =	swait.ge @!p0 [sflag:s0], s1  }
0x6a: {  	s1 =	ssub.s32 @!p0 $0x0, s1;
	[sflag:s0] =	ssyncset.done @!p0 $0x0  }
0x6b: {  	[sflag:s0] =	ssyncadd.s32 @!p0 s1  }
0x6c: {  	[bflag:$0x3] =	sbarrier.arrive $0xFFFF  }
0x6d: {  	_ =	shalt  }

</sc_bundles>
